<compile_context>
chip_gen: v7x
topology: tpu7x:2x2x1
jax: 0.10.2.dev20260603
libtpu: 0.0.44.dev20260713+nightly
codegen_flags: <defaults>
</compile_context>

<pallas_src>
import functools

import jax
import jax.numpy as jnp
from jax import lax
from jax.experimental import pallas as pl
from jax.experimental.pallas import tpu as pltpu
from jax.experimental.pallas import tpu_sc as plsc

N_NODES = 10000
N_EDGES = 320000
D = 128

NC = 2
NS = 16
NW = NC * NS

EDGES_PER_TILE = N_EDGES // NW
CHUNK = 80
NCHUNK = EDGES_PER_TILE // CHUNK
HSTAGE = 64
N_PAD = 10112
ROWS_PER_TILE = N_PAD // NS

_mesh = plsc.VectorSubcoreMesh(core_axis_name="c", subcore_axis_name="s")


@functools.partial(
    pl.kernel,
    mesh=_mesh,
    out_type=jax.ShapeDtypeStruct((NC, N_PAD, D), jnp.float32),
    scratch_types=[
        pltpu.VMEM((HSTAGE, CHUNK), jnp.int32),
        pltpu.VMEM((HSTAGE, CHUNK), jnp.int32),
        pltpu.VMEM((3, CHUNK, D), jnp.float32),
        pltpu.VMEM_SHARED((N_PAD, D), jnp.float32),
        [pltpu.SemaphoreType.DMA] * 3,
        [pltpu.SemaphoreType.DMA] * 3,
    ],
)
def _sc_aggregate(feat_hbm, edge_hbm, part_hbm,
                  src_v, dst_v, rows_v, acc_sh, sg, ss):
    c = lax.axis_index("c")
    s = lax.axis_index("s")
    wid = c * NS + s
    src_t = edge_hbm.at[0].at[wid]
    dst_t = edge_hbm.at[1].at[wid]

    pltpu.sync_copy(src_t.at[pl.ds(0, HSTAGE)], src_v)
    pltpu.sync_copy(dst_t.at[pl.ds(0, HSTAGE)], dst_v)

    def zrow(r, _):
        for j in range(D // 16):
            rows_v[0, r, pl.ds(j * 16, 16)] = jnp.zeros((16,), jnp.float32)
        return 0

    lax.fori_loop(0, CHUNK, zrow, 0)
    base = s * ROWS_PER_TILE
    for k in range(ROWS_PER_TILE // CHUNK):
        pltpu.sync_copy(rows_v.at[0],
                        acc_sh.at[pl.ds(base + k * CHUNK, CHUNK)])
    rem = ROWS_PER_TILE % CHUNK
    if rem:
        pltpu.sync_copy(
            rows_v.at[0].at[pl.ds(0, rem)],
            acc_sh.at[pl.ds(base + ROWS_PER_TILE - rem, rem)])
    plsc.subcore_barrier()

    def issue_g(r, b):
        pltpu.async_copy(feat_hbm.at[src_v.at[r]], rows_v.at[b], sg[b])

    def wait_g(r, b):
        pltpu.make_async_copy(feat_hbm.at[src_v.at[r]], rows_v.at[b],
                              sg[b]).wait()

    def issue_s(r, b):
        pltpu.async_copy(rows_v.at[b], acc_sh.at[dst_v.at[r]], ss[b],
                         add=True)

    def wait_s(r, b):
        pltpu.make_async_copy(rows_v.at[b], acc_sh.at[dst_v.at[r]],
                              ss[b]).wait()

    def full(r, b):
        wait_g(r, b)
        issue_s(r, b)
        wait_s(r, b)
        issue_g(r + 3, b)

    def tail(r, b):
        wait_g(r, b)
        issue_s(r, b)
        wait_s(r, b)

    for b in range(3):
        issue_g(b, b)

    def body_a(it, _):
        for m in range(3):
            full(it * 3 + m, m)
        return 0

    lax.fori_loop(0, (HSTAGE - 4) // 3, body_a, 0)
    full(HSTAGE - 4, (HSTAGE - 4) % 3)
    for r in range(HSTAGE - 3, HSTAGE):
        tail(r, r % 3)

    half_b = NCHUNK - HSTAGE
    pltpu.sync_copy(src_t.at[pl.ds(HSTAGE, half_b)],
                    src_v.at[pl.ds(0, half_b)])
    pltpu.sync_copy(dst_t.at[pl.ds(HSTAGE, half_b)],
                    dst_v.at[pl.ds(0, half_b)])

    for r in range(3):
        issue_g(r, (HSTAGE + r) % 3)

    def body_b(it, _):
        for m in range(3):
            full(it * 3 + m, (HSTAGE + m) % 3)
        return 0

    lax.fori_loop(0, (half_b - 4) // 3, body_b, 0)
    full(half_b - 4, (HSTAGE + half_b - 4) % 3)
    for r in range(half_b - 3, half_b):
        tail(r, (HSTAGE + r) % 3)

    plsc.subcore_barrier()
    pltpu.sync_copy(acc_sh.at[pl.ds(s * ROWS_PER_TILE, ROWS_PER_TILE)],
                    part_hbm.at[c].at[pl.ds(s * ROWS_PER_TILE, ROWS_PER_TILE)])


_ROW_BLK = 5000


def _tc_body(p_ref, wt_ref, b_ref, o_ref):
    agg = p_ref[0] + p_ref[1]
    o_ref[...] = (jnp.dot(agg, wt_ref[...], preferred_element_type=jnp.float32)
                  + b_ref[...])


def _tc_linear(partials, wt, b2):
    return pl.pallas_call(
        _tc_body,
        grid=(N_NODES // _ROW_BLK,),
        in_specs=[
            pl.BlockSpec((NC, _ROW_BLK, D), lambda i: (0, i, 0)),
            pl.BlockSpec((D, D), lambda i: (0, 0)),
            pl.BlockSpec((1, D), lambda i: (0, 0)),
        ],
        out_specs=pl.BlockSpec((_ROW_BLK, D), lambda i: (i, 0)),
        out_shape=jax.ShapeDtypeStruct((N_NODES, D), jnp.float32),
    )(partials, wt, b2)


def kernel(features, edge_index, W, b):
    edges = edge_index.astype(jnp.int32).reshape(2, NW, NCHUNK, CHUNK)
    partials = _sc_aggregate(features, edges)
    return _tc_linear(partials, W.T, b.reshape(1, D))

# --- scband reference (transcript-rebuilt; emitter-appended) ---
"""Pipeline reference for scband-gcnconv-52553219833884 (READ-ONLY COPY).

The authoritative reference and input builder live on the scoring server;
editing this copy changes nothing except your own understanding.
"""

import jax, jax.numpy as jnp
import numpy as np

N_NODES = 10000
N_EDGES = 320000
D_IN = 128
D_OUT = 128


def setup_inputs(seed: int = 0) -> dict:
    key = jax.random.key(seed)
    k_feat, k_edge, k_w, k_b = jax.random.split(key, 4)
    features = jax.random.normal(k_feat, (N_NODES, D_IN), dtype=jnp.float32)
    edge_index = jax.random.randint(k_edge, (2, N_EDGES), 0, N_NODES, dtype=jnp.int64)
    # Linear layer params (torch.nn.Linear: y = x @ W.T + b), kaiming-ish init
    bound = 1.0 / np.sqrt(D_IN)
    W = jax.random.uniform(k_w, (D_OUT, D_IN), minval=-bound, maxval=bound, dtype=jnp.float32)
    b = jax.random.uniform(k_b, (D_OUT,), minval=-bound, maxval=bound, dtype=jnp.float32)
    return {"features": features, "edge_index": edge_index, "W": W, "b": b}


def reference(features, edge_index, W, b):
    # ptens.gather(features, graph): for each destination node, sum features of
    # its neighbors (source nodes) -> scatter-add over edges.
    src = edge_index[0]
    dst = edge_index[1]
    messages = jnp.take(features, src, axis=0)            # gather  [E, D_IN]
    aggregated = jax.ops.segment_sum(messages, dst, num_segments=features.shape[0])  # scatter-add [N, D_IN]
    # Linear: out = agg @ W.T + b
    return aggregated @ W.T + b

if __name__ == "__main__":
    import jax
    _d = setup_inputs()
    print(jax.jit(kernel)(*tuple(_d.values())))

</pallas_src>

<mosaic_0001>
#map = affine_map<(d0, d1) -> (0, 0)>
#map1 = affine_map<(d0, d1) -> (0, 0, 0, 0)>
#map2 = affine_map<(d0, d1) -> (0, 0, 0)>
module attributes {stable_mosaic.version = 14 : i64} {
  func.func @_sc_aggregate(%arg0: i32, %arg1: i32, %arg2: memref<10000x128xf32, #tpu.memory_space<hbm>>, %arg3: memref<2x32x125x80xi32, #tpu.memory_space<hbm>>, %arg4: memref<2x10112x128xf32, #tpu.memory_space<hbm>>, %arg5: memref<64x80xi32, #tpu.memory_space<vmem>>, %arg6: memref<64x80xi32, #tpu.memory_space<vmem>>, %arg7: memref<3x80x128xf32, #tpu.memory_space<vmem>>, %arg8: memref<10112x128xf32, #tpu.memory_space<vmem_shared>>, %arg9: memref<!tpu.dma_semaphore, #tpu.memory_space<semaphore_mem>>, %arg10: memref<!tpu.dma_semaphore, #tpu.memory_space<semaphore_mem>>, %arg11: memref<!tpu.dma_semaphore, #tpu.memory_space<semaphore_mem>>, %arg12: memref<!tpu.dma_semaphore, #tpu.memory_space<semaphore_mem>>, %arg13: memref<!tpu.dma_semaphore, #tpu.memory_space<semaphore_mem>>, %arg14: memref<!tpu.dma_semaphore, #tpu.memory_space<semaphore_mem>>) attributes {dimension_semantics = [#tpu.dimension_semantics<core_parallel>, #tpu.dimension_semantics<subcore_parallel>], iteration_bounds = array<i64: 2, 16>, scalar_prefetch = 0 : i64, scratch_operands = 10 : i64, tpu.core_type = #tpu.core_type<sc_vector_subcore>, window_params = [{transform_indices = #map}, {transform_indices = #map1}, {transform_indices = #map2}]} {
    %mul3A = arith.constant 16 : i32
    %mul3A_0 = arith.muli %arg0, %mul3A : i32
    %add3A = arith.addi %mul3A_0, %arg1 : i32
    %run_scoped3A = arith.constant 0 : i32
    "tpu.region"() ({
      %run_scoped3A_438 = tpu.sem_alloc : memref<!tpu.dma_semaphore, #tpu.memory_space<semaphore_mem>>
      %dma_start3A_439 = arith.constant 0 : i32
      %dma_start3A_440 = arith.constant 0 : i32
      %dma_start3A_441 = arith.constant 0 : i32
      %dma_start3A_442 = tpu.memref_slice %arg3[%run_scoped3A, %dma_start3A_439, %dma_start3A_440, %dma_start3A_441] : memref<2x32x125x80xi32, #tpu.memory_space<hbm>> -> memref<1x32x125x80xi32, #tpu.memory_space<hbm>>
      %dma_start3A_443 = tpu.memref_squeeze %dma_start3A_442 : memref<1x32x125x80xi32, #tpu.memory_space<hbm>> -> memref<32x125x80xi32, #tpu.memory_space<hbm>>
      %dma_start3A_444 = arith.constant 0 : i32
      %dma_start3A_445 = arith.constant 0 : i32
      %dma_start3A_446 = tpu.memref_slice %dma_start3A_443[%add3A, %dma_start3A_444, %dma_start3A_445] : memref<32x125x80xi32, #tpu.memory_space<hbm>> -> memref<1x125x80xi32, #tpu.memory_space<hbm>>
      %dma_start3A_447 = tpu.memref_squeeze %dma_start3A_446 : memref<1x125x80xi32, #tpu.memory_space<hbm>> -> memref<125x80xi32, #tpu.memory_space<hbm>>
      %dma_start3A_448 = arith.constant 0 : i32
      %dma_start3A_449 = arith.constant 0 : i32
      %dma_start3A_450 = tpu.memref_slice %dma_start3A_447[%dma_start3A_448, %dma_start3A_449] : memref<125x80xi32, #tpu.memory_space<hbm>> -> memref<64x80xi32, #tpu.memory_space<hbm>>
      %dma_start3A_451 = arith.constant 0 : i32
      %dma_start3A_452 = arith.constant 0 : i32
      %dma_start3A_453 = arith.constant 0 : i32
      %dma_start3A_454 = tpu.memref_slice %arg3[%run_scoped3A, %dma_start3A_451, %dma_start3A_452, %dma_start3A_453] : memref<2x32x125x80xi32, #tpu.memory_space<hbm>> -> memref<1x32x125x80xi32, #tpu.memory_space<hbm>>
      %dma_start3A_455 = tpu.memref_squeeze %dma_start3A_454 : memref<1x32x125x80xi32, #tpu.memory_space<hbm>> -> memref<32x125x80xi32, #tpu.memory_space<hbm>>
      %dma_start3A_456 = arith.constant 0 : i32
      %dma_start3A_457 = arith.constant 0 : i32
      %dma_start3A_458 = tpu.memref_slice %dma_start3A_455[%add3A, %dma_start3A_456, %dma_start3A_457] : memref<32x125x80xi32, #tpu.memory_space<hbm>> -> memref<1x125x80xi32, #tpu.memory_space<hbm>>
      %dma_start3A_459 = tpu.memref_squeeze %dma_start3A_458 : memref<1x125x80xi32, #tpu.memory_space<hbm>> -> memref<125x80xi32, #tpu.memory_space<hbm>>
      %dma_start3A_460 = arith.constant 0 : i32
      %dma_start3A_461 = arith.constant 0 : i32
      %dma_start3A_462 = tpu.memref_slice %dma_start3A_459[%dma_start3A_460, %dma_start3A_461] : memref<125x80xi32, #tpu.memory_space<hbm>> -> memref<64x80xi32, #tpu.memory_space<hbm>>
      tpu.enqueue_dma source(%dma_start3A_462 : memref<64x80xi32, #tpu.memory_space<hbm>>) target(%arg5 : memref<64x80xi32, #tpu.memory_space<vmem>>) target_semaphore(%run_scoped3A_438 : memref<!tpu.dma_semaphore, #tpu.memory_space<semaphore_mem>>)
      %dma_wait3A_463 = arith.constant 0 : i32
      %dma_wait3A_464 = arith.constant 0 : i32
      %dma_wait3A_465 = arith.constant 0 : i32
      %dma_wait3A_466 = tpu.memref_slice %arg3[%run_scoped3A, %dma_wait3A_463, %dma_wait3A_464, %dma_wait3A_465] : memref<2x32x125x80xi32, #tpu.memory_space<hbm>> -> memref<1x32x125x80xi32, #tpu.memory_space<hbm>>
      %dma_wait3A_467 = tpu.memref_squeeze %dma_wait3A_466 : memref<1x32x125x80xi32, #tpu.memory_space<hbm>> -> memref<32x125x80xi32, #tpu.memory_space<hbm>>
      %dma_wait3A_468 = arith.constant 0 : i32
      %dma_wait3A_469 = arith.constant 0 : i32
      %dma_wait3A_470 = tpu.memref_slice %dma_wait3A_467[%add3A, %dma_wait3A_468, %dma_wait3A_469] : memref<32x125x80xi32, #tpu.memory_space<hbm>> -> memref<1x125x80xi32, #tpu.memory_space<hbm>>
      %dma_wait3A_471 = tpu.memref_squeeze %dma_wait3A_470 : memref<1x125x80xi32, #tpu.memory_space<hbm>> -> memref<125x80xi32, #tpu.memory_space<hbm>>
      %dma_wait3A_472 = arith.constant 0 : i32
      %dma_wait3A_473 = arith.constant 0 : i32
      %dma_wait3A_474 = tpu.memref_slice %dma_wait3A_471[%dma_wait3A_472, %dma_wait3A_473] : memref<125x80xi32, #tpu.memory_space<hbm>> -> memref<64x80xi32, #tpu.memory_space<hbm>>
      %dma_wait3A_475 = arith.constant 0 : i32
      %dma_wait3A_476 = arith.constant 0 : i32
      %dma_wait3A_477 = arith.constant 0 : i32
      %dma_wait3A_478 = tpu.memref_slice %arg3[%run_scoped3A, %dma_wait3A_475, %dma_wait3A_476, %dma_wait3A_477] : memref<2x32x125x80xi32, #tpu.memory_space<hbm>> -> memref<1x32x125x80xi32, #tpu.memory_space<hbm>>
      %dma_wait3A_479 = tpu.memref_squeeze %dma_wait3A_478 : memref<1x32x125x80xi32, #tpu.memory_space<hbm>> -> memref<32x125x80xi32, #tpu.memory_space<hbm>>
      %dma_wait3A_480 = arith.constant 0 : i32
      %dma_wait3A_481 = arith.constant 0 : i32
      %dma_wait3A_482 = tpu.memref_slice %dma_wait3A_479[%add3A, %dma_wait3A_480, %dma_wait3A_481] : memref<32x125x80xi32, #tpu.memory_space<hbm>> -> memref<1x125x80xi32, #tpu.memory_space<hbm>>
      %dma_wait3A_483 = tpu.memref_squeeze %dma_wait3A_482 : memref<1x125x80xi32, #tpu.memory_space<hbm>> -> memref<125x80xi32, #tpu.memory_space<hbm>>
      %dma_wait3A_484 = arith.constant 0 : i32
      %dma_wait3A_485 = arith.constant 0 : i32
      %dma_wait3A_486 = tpu.memref_slice %dma_wait3A_483[%dma_wait3A_484, %dma_wait3A_485] : memref<125x80xi32, #tpu.memory_space<hbm>> -> memref<64x80xi32, #tpu.memory_space<hbm>>
      tpu.wait_dma2 semaphore(%run_scoped3A_438 : memref<!tpu.dma_semaphore, #tpu.memory_space<semaphore_mem>>) src(%dma_wait3A_486 : memref<64x80xi32, #tpu.memory_space<hbm>>) dst(%arg5 : memref<64x80xi32, #tpu.memory_space<vmem>>)
      tpu.yield
    }) : () -> ()
    %run_scoped3A_1 = arith.constant 1 : i32
    "tpu.region"() ({
      %run_scoped3A_438 = tpu.sem_alloc : memref<!tpu.dma_semaphore, #tpu.memory_space<semaphore_mem>>
      %dma_start3A_439 = arith.constant 0 : i32
      %dma_start3A_440 = arith.constant 0 : i32
      %dma_start3A_441 = arith.constant 0 : i32
      %dma_start3A_442 = tpu.memref_slice %arg3[%run_scoped3A_1, %dma_start3A_439, %dma_start3A_440, %dma_start3A_441] : memref<2x32x125x80xi32, #tpu.memory_space<hbm>> -> memref<1x32x125x80xi32, #tpu.memory_space<hbm>>
      %dma_start3A_443 = tpu.memref_squeeze %dma_start3A_442 : memref<1x32x125x80xi32, #tpu.memory_space<hbm>> -> memref<32x125x80xi32, #tpu.memory_space<hbm>>
      %dma_start3A_444 = arith.constant 0 : i32
      %dma_start3A_445 = arith.constant 0 : i32
      %dma_start3A_446 = tpu.memref_slice %dma_start3A_443[%add3A, %dma_start3A_444, %dma_start3A_445] : memref<32x125x80xi32, #tpu.memory_space<hbm>> -> memref<1x125x80xi32, #tpu.memory_space<hbm>>
      %dma_start3A_447 = tpu.memref_squeeze %dma_start3A_446 : memref<1x125x80xi32, #tpu.memory_space<hbm>> -> memref<125x80xi32, #tpu.memory_space<hbm>>
      %dma_start3A_448 = arith.constant 0 : i32
      %dma_start3A_449 = arith.constant 0 : i32
      %dma_start3A_450 = tpu.memref_slice %dma_start3A_447[%dma_start3A_448, %dma_start3A_449] : memref<125x80xi32, #tpu.memory_space<hbm>> -> memref<64x80xi32, #tpu.memory_space<hbm>>
      %dma_start3A_451 = arith.constant 0 : i32
      %dma_start3A_452 = arith.constant 0 : i32
      %dma_start3A_453 = arith.constant 0 : i32
      %dma_start3A_454 = tpu.memref_slice %arg3[%run_scoped3A_1, %dma_start3A_451, %dma_start3A_452, %dma_start3A_453] : memref<2x32x125x80xi32, #tpu.memory_space<hbm>> -> memref<1x32x125x80xi32, #tpu.memory_space<hbm>>
      %dma_start3A_455 = tpu.memref_squeeze %dma_start3A_454 : memref<1x32x125x80xi32, #tpu.memory_space<hbm>> -> memref<32x125x80xi32, #tpu.memory_space<hbm>>
      %dma_start3A_456 = arith.constant 0 : i32
      %dma_start3A_457 = arith.constant 0 : i32
      %dma_start3A_458 = tpu.memref_slice %dma_start3A_455[%add3A, %dma_start3A_456, %dma_start3A_457] : memref<32x125x80xi32, #tpu.memory_space<hbm>> -> memref<1x125x80xi32, #tpu.memory_space<hbm>>
      %dma_start3A_459 = tpu.memref_squeeze %dma_start3A_458 : memref<1x125x80xi32, #tpu.memory_space<hbm>> -> memref<125x80xi32, #tpu.memory_space<hbm>>
      %dma_start3A_460 = arith.constant 0 : i32
      %dma_start3A_461 = arith.constant 0 : i32
      %dma_start3A_462 = tpu.memref_slice %dma_start3A_459[%dma_start3A_460, %dma_start3A_461] : memref<125x80xi32, #tpu.memory_space<hbm>> -> memref<64x80xi32, #tpu.memory_space<hbm>>
      tpu.enqueue_dma source(%dma_start3A_462 : memref<64x80xi32, #tpu.memory_space<hbm>>) target(%arg6 : memref<64x80xi32, #tpu.memory_space<vmem>>) target_semaphore(%run_scoped3A_438 : memref<!tpu.dma_semaphore, #tpu.memory_space<semaphore_mem>>)
      %dma_wait3A_463 = arith.constant 0 : i32
      %dma_wait3A_464 = arith.constant 0 : i32
      %dma_wait3A_465 = arith.constant 0 : i32
      %dma_wait3A_466 = tpu.memref_slice %arg3[%run_scoped3A_1, %dma_wait3A_463, %dma_wait3A_464, %dma_wait3A_465] : memref<2x32x125x80xi32, #tpu.memory_space<hbm>> -> memref<1x32x125x80xi32, #tpu.memory_space<hbm>>
      %dma_wait3A_467 = tpu.memref_squeeze %dma_wait3A_466 : memref<1x32x125x80xi32, #tpu.memory_space<hbm>> -> memref<32x125x80xi32, #tpu.memory_space<hbm>>
      %dma_wait3A_468 = arith.constant 0 : i32
      %dma_wait3A_469 = arith.constant 0 : i32
      %dma_wait3A_470 = tpu.memref_slice %dma_wait3A_467[%add3A, %dma_wait3A_468, %dma_wait3A_469] : memref<32x125x80xi32, #tpu.memory_space<hbm>> -> memref<1x125x80xi32, #tpu.memory_space<hbm>>
      %dma_wait3A_471 = tpu.memref_squeeze %dma_wait3A_470 : memref<1x125x80xi32, #tpu.memory_space<hbm>> -> memref<125x80xi32, #tpu.memory_space<hbm>>
      %dma_wait3A_472 = arith.constant 0 : i32
      %dma_wait3A_473 = arith.constant 0 : i32
      %dma_wait3A_474 = tpu.memref_slice %dma_wait3A_471[%dma_wait3A_472, %dma_wait3A_473] : memref<125x80xi32, #tpu.memory_space<hbm>> -> memref<64x80xi32, #tpu.memory_space<hbm>>
      %dma_wait3A_475 = arith.constant 0 : i32
      %dma_wait3A_476 = arith.constant 0 : i32
      %dma_wait3A_477 = arith.constant 0 : i32
      %dma_wait3A_478 = tpu.memref_slice %arg3[%run_scoped3A_1, %dma_wait3A_475, %dma_wait3A_476, %dma_wait3A_477] : memref<2x32x125x80xi32, #tpu.memory_space<hbm>> -> memref<1x32x125x80xi32, #tpu.memory_space<hbm>>
      %dma_wait3A_479 = tpu.memref_squeeze %dma_wait3A_478 : memref<1x32x125x80xi32, #tpu.memory_space<hbm>> -> memref<32x125x80xi32, #tpu.memory_space<hbm>>
      %dma_wait3A_480 = arith.constant 0 : i32
      %dma_wait3A_481 = arith.constant 0 : i32
      %dma_wait3A_482 = tpu.memref_slice %dma_wait3A_479[%add3A, %dma_wait3A_480, %dma_wait3A_481] : memref<32x125x80xi32, #tpu.memory_space<hbm>> -> memref<1x125x80xi32, #tpu.memory_space<hbm>>
      %dma_wait3A_483 = tpu.memref_squeeze %dma_wait3A_482 : memref<1x125x80xi32, #tpu.memory_space<hbm>> -> memref<125x80xi32, #tpu.memory_space<hbm>>
      %dma_wait3A_484 = arith.constant 0 : i32
      %dma_wait3A_485 = arith.constant 0 : i32
      %dma_wait3A_486 = tpu.memref_slice %dma_wait3A_483[%dma_wait3A_484, %dma_wait3A_485] : memref<125x80xi32, #tpu.memory_space<hbm>> -> memref<64x80xi32, #tpu.memory_space<hbm>>
      tpu.wait_dma2 semaphore(%run_scoped3A_438 : memref<!tpu.dma_semaphore, #tpu.memory_space<semaphore_mem>>) src(%dma_wait3A_486 : memref<64x80xi32, #tpu.memory_space<hbm>>) dst(%arg6 : memref<64x80xi32, #tpu.memory_space<vmem>>)
      tpu.yield
    }) : () -> ()
    %scan3A = arith.constant 0 : i32
    %scan3A_2 = arith.constant 0 : i32
    %scan3A_3 = arith.constant 80 : i32
    %scan3A_4 = arith.addi %scan3A_2, %scan3A_3 : i32
    %scan3A_5 = arith.constant 1 : i32
    %scan3A_6 = scf.for %scan3A_438 = %scan3A_2 to %scan3A_4 step %scan3A_5 iter_args(%scan3A_439 = %scan3A) -> (i32)  : i32 {
      %broadcast_in_dim3A = arith.constant 0.000000e+00 : f32
      %broadcast_in_dim3A_440 = vector.broadcast %broadcast_in_dim3A : f32 to vector<16xf32>
      %swap3A = arith.constant 0 : i32
      %swap3A_441 = arith.index_cast %swap3A : i32 to index
      %swap3A_442 = arith.index_cast %scan3A_438 : i32 to index
      %swap3A_443 = arith.constant 0 : index
      %swap3A_444 = tpu.vector_load %arg7[%swap3A_441, %swap3A_442, %swap3A_443] {strides = array<i32>} : memref<3x80x128xf32, #tpu.memory_space<vmem>>, vector<1x1x16xf32>,
      %swap3A_445 = vector.shape_cast %swap3A_444 : vector<1x1x16xf32> to vector<16xf32>
      %swap3A_446 = vector.shape_cast %broadcast_in_dim3A_440 : vector<16xf32> to vector<1x1x16xf32>
      tpu.vector_store %arg7[%swap3A_441, %swap3A_442, %swap3A_443], %swap3A_446 {strides = array<i32>} : memref<3x80x128xf32, #tpu.memory_space<vmem>>, vector<1x1x16xf32>,
      %broadcast_in_dim3A_447 = arith.constant 0.000000e+00 : f32
      %broadcast_in_dim3A_448 = vector.broadcast %broadcast_in_dim3A_447 : f32 to vector<16xf32>
      %swap3A_449 = arith.constant 0 : i32
      %swap3A_450 = arith.index_cast %swap3A_449 : i32 to index
      %swap3A_451 = arith.index_cast %scan3A_438 : i32 to index
      %swap3A_452 = arith.constant 16 : index
      %swap3A_453 = tpu.vector_load %arg7[%swap3A_450, %swap3A_451, %swap3A_452] {strides = array<i32>} : memref<3x80x128xf32, #tpu.memory_space<vmem>>, vector<1x1x16xf32>,
      %swap3A_454 = vector.shape_cast %swap3A_453 : vector<1x1x16xf32> to vector<16xf32>
      %swap3A_455 = vector.shape_cast %broadcast_in_dim3A_448 : vector<16xf32> to vector<1x1x16xf32>
      tpu.vector_store %arg7[%swap3A_450, %swap3A_451, %swap3A_452], %swap3A_455 {strides = array<i32>} : memref<3x80x128xf32, #tpu.memory_space<vmem>>, vector<1x1x16xf32>,
      %broadcast_in_dim3A_456 = arith.constant 0.000000e+00 : f32
      %broadcast_in_dim3A_457 = vector.broadcast %broadcast_in_dim3A_456 : f32 to vector<16xf32>
      %swap3A_458 = arith.constant 0 : i32
      %swap3A_459 = arith.index_cast %swap3A_458 : i32 to index
      %swap3A_460 = arith.index_cast %scan3A_438 : i32 to index
      %swap3A_461 = arith.constant 32 : index
      %swap3A_462 = tpu.vector_load %arg7[%swap3A_459, %swap3A_460, %swap3A_461] {strides = array<i32>} : memref<3x80x128xf32, #tpu.memory_space<vmem>>, vector<1x1x16xf32>,
      %swap3A_463 = vector.shape_cast %swap3A_462 : vector<1x1x16xf32> to vector<16xf32>
      %swap3A_464 = vector.shape_cast %broadcast_in_dim3A_457 : vector<16xf32> to vector<1x1x16xf32>
      tpu.vector_store %arg7[%swap3A_459, %swap3A_460, %swap3A_461], %swap3A_464 {strides = array<i32>} : memref<3x80x128xf32, #tpu.memory_space<vmem>>, vector<1x1x16xf32>,
      %broadcast_in_dim3A_465 = arith.constant 0.000000e+00 : f32
      %broadcast_in_dim3A_466 = vector.broadcast %broadcast_in_dim3A_465 : f32 to vector<16xf32>
      %swap3A_467 = arith.constant 0 : i32
      %swap3A_468 = arith.index_cast %swap3A_467 : i32 to index
      %swap3A_469 = arith.index_cast %scan3A_438 : i32 to index
      %swap3A_470 = arith.constant 48 : index
      %swap3A_471 = tpu.vector_load %arg7[%swap3A_468, %swap3A_469, %swap3A_470] {strides = array<i32>} : memref<3x80x128xf32, #tpu.memory_space<vmem>>, vector<1x1x16xf32>,
      %swap3A_472 = vector.shape_cast %swap3A_471 : vector<1x1x16xf32> to vector<16xf32>
      %swap3A_473 = vector.shape_cast %broadcast_in_dim3A_466 : vector<16xf32> to vector<1x1x16xf32>
      tpu.vector_store %arg7[%swap3A_468, %swap3A_469, %swap3A_470], %swap3A_473 {strides = array<i32>} : memref<3x80x128xf32, #tpu.memory_space<vmem>>, vector<1x1x16xf32>,
      %broadcast_in_dim3A_474 = arith.constant 0.000000e+00 : f32
      %broadcast_in_dim3A_475 = vector.broadcast %broadcast_in_dim3A_474 : f32 to vector<16xf32>
      %swap3A_476 = arith.constant 0 : i32
      %swap3A_477 = arith.index_cast %swap3A_476 : i32 to index
      %swap3A_478 = arith.index_cast %scan3A_438 : i32 to index
      %swap3A_479 = arith.constant 64 : index
      %swap3A_480 = tpu.vector_load %arg7[%swap3A_477, %swap3A_478, %swap3A_479] {strides = array<i32>} : memref<3x80x128xf32, #tpu.memory_space<vmem>>, vector<1x1x16xf32>,
      %swap3A_481 = vector.shape_cast %swap3A_480 : vector<1x1x16xf32> to vector<16xf32>
      %swap3A_482 = vector.shape_cast %broadcast_in_dim3A_475 : vector<16xf32> to vector<1x1x16xf32>
      tpu.vector_store %arg7[%swap3A_477, %swap3A_478, %swap3A_479], %swap3A_482 {strides = array<i32>} : memref<3x80x128xf32, #tpu.memory_space<vmem>>, vector<1x1x16xf32>,
      %broadcast_in_dim3A_483 = arith.constant 0.000000e+00 : f32
      %broadcast_in_dim3A_484 = vector.broadcast %broadcast_in_dim3A_483 : f32 to vector<16xf32>
      %swap3A_485 = arith.constant 0 : i32
      %swap3A_486 = arith.index_cast %swap3A_485 : i32 to index
      %swap3A_487 = arith.index_cast %scan3A_438 : i32 to index
      %swap3A_488 = arith.constant 80 : index
      %swap3A_489 = tpu.vector_load %arg7[%swap3A_486, %swap3A_487, %swap3A_488] {strides = array<i32>} : memref<3x80x128xf32, #tpu.memory_space<vmem>>, vector<1x1x16xf32>,
      %swap3A_490 = vector.shape_cast %swap3A_489 : vector<1x1x16xf32> to vector<16xf32>
      %swap3A_491 = vector.shape_cast %broadcast_in_dim3A_484 : vector<16xf32> to vector<1x1x16xf32>
      tpu.vector_store %arg7[%swap3A_486, %swap3A_487, %swap3A_488], %swap3A_491 {strides = array<i32>} : memref<3x80x128xf32, #tpu.memory_space<vmem>>, vector<1x1x16xf32>,
      %broadcast_in_dim3A_492 = arith.constant 0.000000e+00 : f32
      %broadcast_in_dim3A_493 = vector.broadcast %broadcast_in_dim3A_492 : f32 to vector<16xf32>
      %swap3A_494 = arith.constant 0 : i32
      %swap3A_495 = arith.index_cast %swap3A_494 : i32 to index
      %swap3A_496 = arith.index_cast %scan3A_438 : i32 to index
      %swap3A_497 = arith.constant 96 : index
      %swap3A_498 = tpu.vector_load %arg7[%swap3A_495, %swap3A_496, %swap3A_497] {strides = array<i32>} : memref<3x80x128xf32, #tpu.memory_space<vmem>>, vector<1x1x16xf32>,
      %swap3A_499 = vector.shape_cast %swap3A_498 : vector<1x1x16xf32> to vector<16xf32>
      %swap3A_500 = vector.shape_cast %broadcast_in_dim3A_493 : vector<16xf32> to vector<1x1x16xf32>
      tpu.vector_store %arg7[%swap3A_495, %swap3A_496, %swap3A_497], %swap3A_500 {strides = array<i32>} : memref<3x80x128xf32, #tpu.memory_space<vmem>>, vector<1x1x16xf32>,
      %broadcast_in_dim3A_501 = arith.constant 0.000000e+00 : f32
      %broadcast_in_dim3A_502 = vector.broadcast %broadcast_in_dim3A_501 : f32 to vector<16xf32>
      %swap3A_503 = arith.constant 0 : i32
      %swap3A_504 = arith.index_cast %swap3A_503 : i32 to index
      %swap3A_505 = arith.index_cast %scan3A_438 : i32 to index
      %swap3A_506 = arith.constant 112 : index
      %swap3A_507 = tpu.vector_load %arg7[%swap3A_504, %swap3A_505, %swap3A_506] {strides = array<i32>} : memref<3x80x128xf32, #tpu.memory_space<vmem>>, vector<1x1x16xf32>,
      %swap3A_508 = vector.shape_cast %swap3A_507 : vector<1x1x16xf32> to vector<16xf32>
      %swap3A_509 = vector.shape_cast %broadcast_in_dim3A_502 : vector<16xf32> to vector<1x1x16xf32>
      tpu.vector_store %arg7[%swap3A_504, %swap3A_505, %swap3A_506], %swap3A_509 {strides = array<i32>} : memref<3x80x128xf32, #tpu.memory_space<vmem>>, vector<1x1x16xf32>,
      %scan3A_510 = arith.constant 0 : i32
      scf.yield %scan3A_510 : i32
    }
    %scan3A_7 = arith.constant 80 : i32
    %mul3A_8 = arith.constant 632 : i32
    %mul3A_9 = arith.muli %arg1, %mul3A_8 : i32
    %add3A_10 = arith.constant 0 : i32
    %add3A_11 = arith.addi %mul3A_9, %add3A_10 : i32
    %run_scoped3A_12 = arith.constant 0 : i32
    "tpu.region"() ({
      %run_scoped3A_438 = tpu.sem_alloc : memref<!tpu.dma_semaphore, #tpu.memory_space<semaphore_mem>>
      %dma_start3A_439 = arith.constant 0 : i32
      %dma_start3A_440 = arith.constant 0 : i32
      %dma_start3A_441 = tpu.memref_slice %arg7[%run_scoped3A_12, %dma_start3A_439, %dma_start3A_440] : memref<3x80x128xf32, #tpu.memory_space<vmem>> -> memref<1x80x128xf32, #tpu.memory_space<vmem>>
      %dma_start3A_442 = tpu.memref_squeeze %dma_start3A_441 : memref<1x80x128xf32, #tpu.memory_space<vmem>> -> memref<80x128xf32, #tpu.memory_space<vmem>>
      %dma_start3A_443 = arith.constant 0 : i32
      %dma_start3A_444 = tpu.memref_slice %arg8[%add3A_11, %dma_start3A_443] : memref<10112x128xf32, #tpu.memory_space<vmem_shared>> -> memref<80x128xf32, #tpu.memory_space<vmem_shared>>
      %dma_start3A_445 = arith.constant 0 : i32
      %dma_start3A_446 = tpu.memref_slice %arg8[%add3A_11, %dma_start3A_445] : memref<10112x128xf32, #tpu.memory_space<vmem_shared>> -> memref<80x128xf32, #tpu.memory_space<vmem_shared>>
      %dma_start3A_447 = arith.constant 0 : i32
      %dma_start3A_448 = arith.constant 0 : i32
      %dma_start3A_449 = tpu.memref_slice %arg7[%run_scoped3A_12, %dma_start3A_447, %dma_start3A_448] : memref<3x80x128xf32, #tpu.memory_space<vmem>> -> memref<1x80x128xf32, #tpu.memory_space<vmem>>
      %dma_start3A_450 = tpu.memref_squeeze %dma_start3A_449 : memref<1x80x128xf32, #tpu.memory_space<vmem>> -> memref<80x128xf32, #tpu.memory_space<vmem>>
      tpu.enqueue_dma source(%dma_start3A_450 : memref<80x128xf32, #tpu.memory_space<vmem>>) target(%dma_start3A_446 : memref<80x128xf32, #tpu.memory_space<vmem_shared>>) target_semaphore(%run_scoped3A_438 : memref<!tpu.dma_semaphore, #tpu.memory_space<semaphore_mem>>)
      %dma_wait3A_451 = arith.constant 0 : i32
      %dma_wait3A_452 = arith.constant 0 : i32
      %dma_wait3A_453 = tpu.memref_slice %arg7[%run_scoped3A_12, %dma_wait3A_451, %dma_wait3A_452] : memref<3x80x128xf32, #tpu.memory_space<vmem>> -> memref<1x80x128xf32, #tpu.memory_space<vmem>>
      %dma_wait3A_454 = tpu.memref_squeeze %dma_wait3A_453 : memref<1x80x128xf32, #tpu.memory_space<vmem>> -> memref<80x128xf32, #tpu.memory_space<vmem>>
      %dma_wait3A_455 = arith.constant 0 : i32
      %dma_wait3A_456 = tpu.memref_slice %arg8[%add3A_11, %dma_wait3A_455] : memref<10112x128xf32, #tpu.memory_space<vmem_shared>> -> memref<80x128xf32, #tpu.memory_space<vmem_shared>>
      %dma_wait3A_457 = arith.constant 0 : i32
      %dma_wait3A_458 = tpu.memref_slice %arg8[%add3A_11, %dma_wait3A_457] : memref<10112x128xf32, #tpu.memory_space<vmem_shared>> -> memref<80x128xf32, #tpu.memory_space<vmem_shared>>
      %dma_wait3A_459 = arith.constant 0 : i32
      %dma_wait3A_460 = arith.constant 0 : i32
      %dma_wait3A_461 = tpu.memref_slice %arg7[%run_scoped3A_12, %dma_wait3A_459, %dma_wait3A_460] : memref<3x80x128xf32, #tpu.memory_space<vmem>> -> memref<1x80x128xf32, #tpu.memory_space<vmem>>
      %dma_wait3A_462 = tpu.memref_squeeze %dma_wait3A_461 : memref<1x80x128xf32, #tpu.memory_space<vmem>> -> memref<80x128xf32, #tpu.memory_space<vmem>>
      tpu.wait_dma2 semaphore(%run_scoped3A_438 : memref<!tpu.dma_semaphore, #tpu.memory_space<semaphore_mem>>) src(%dma_wait3A_462 : memref<80x128xf32, #tpu.memory_space<vmem>>) dst(%dma_wait3A_458 : memref<80x128xf32, #tpu.memory_space<vmem_shared>>)
      tpu.yield
    }) : () -> ()
    %add3A_13 = arith.constant 80 : i32
    %add3A_14 = arith.addi %mul3A_9, %add3A_13 : i32
    %run_scoped3A_15 = arith.constant 0 : i32
    "tpu.region"() ({
      %run_scoped3A_438 = tpu.sem_alloc : memref<!tpu.dma_semaphore, #tpu.memory_space<semaphore_mem>>
      %dma_start3A_439 = arith.constant 0 : i32
      %dma_start3A_440 = arith.constant 0 : i32
      %dma_start3A_441 = tpu.memref_slice %arg7[%run_scoped3A_15, %dma_start3A_439, %dma_start3A_440] : memref<3x80x128xf32, #tpu.memory_space<vmem>> -> memref<1x80x128xf32, #tpu.memory_space<vmem>>
      %dma_start3A_442 = tpu.memref_squeeze %dma_start3A_441 : memref<1x80x128xf32, #tpu.memory_space<vmem>> -> memref<80x128xf32, #tpu.memory_space<vmem>>
      %dma_start3A_443 = arith.constant 0 : i32
      %dma_start3A_444 = tpu.memref_slice %arg8[%add3A_14, %dma_start3A_443] : memref<10112x128xf32, #tpu.memory_space<vmem_shared>> -> memref<80x128xf32, #tpu.memory_space<vmem_shared>>
      %dma_start3A_445 = arith.constant 0 : i32
      %dma_start3A_446 = tpu.memref_slice %arg8[%add3A_14, %dma_start3A_445] : memref<10112x128xf32, #tpu.memory_space<vmem_shared>> -> memref<80x128xf32, #tpu.memory_space<vmem_shared>>
      %dma_start3A_447 = arith.constant 0 : i32
      %dma_start3A_448 = arith.constant 0 : i32
      %dma_start3A_449 = tpu.memref_slice %arg7[%run_scoped3A_15, %dma_start3A_447, %dma_start3A_448] : memref<3x80x128xf32, #tpu.memory_space<vmem>> -> memref<1x80x128xf32, #tpu.memory_space<vmem>>
      %dma_start3A_450 = tpu.memref_squeeze %dma_start3A_449 : memref<1x80x128xf32, #tpu.memory_space<vmem>> -> memref<80x128xf32, #tpu.memory_space<vmem>>
      tpu.enqueue_dma source(%dma_start3A_450 : memref<80x128xf32, #tpu.memory_space<vmem>>) target(%dma_start3A_446 : memref<80x128xf32, #tpu.memory_space<vmem_shared>>) target_semaphore(%run_scoped3A_438 : memref<!tpu.dma_semaphore, #tpu.memory_space<semaphore_mem>>)
      %dma_wait3A_451 = arith.constant 0 : i32
      %dma_wait3A_452 = arith.constant 0 : i32
      %dma_wait3A_453 = tpu.memref_slice %arg7[%run_scoped3A_15, %dma_wait3A_451, %dma_wait3A_452] : memref<3x80x128xf32, #tpu.memory_space<vmem>> -> memref<1x80x128xf32, #tpu.memory_space<vmem>>
      %dma_wait3A_454 = tpu.memref_squeeze %dma_wait3A_453 : memref<1x80x128xf32, #tpu.memory_space<vmem>> -> memref<80x128xf32, #tpu.memory_space<vmem>>
      %dma_wait3A_455 = arith.constant 0 : i32
      %dma_wait3A_456 = tpu.memref_slice %arg8[%add3A_14, %dma_wait3A_455] : memref<10112x128xf32, #tpu.memory_space<vmem_shared>> -> memref<80x128xf32, #tpu.memory_space<vmem_shared>>
      %dma_wait3A_457 = arith.constant 0 : i32
      %dma_wait3A_458 = tpu.memref_slice %arg8[%add3A_14, %dma_wait3A_457] : memref<10112x128xf32, #tpu.memory_space<vmem_shared>> -> memref<80x128xf32, #tpu.memory_space<vmem_shared>>
      %dma_wait3A_459 = arith.constant 0 : i32
      %dma_wait3A_460 = arith.constant 0 : i32
      %dma_wait3A_461 = tpu.memref_slice %arg7[%run_scoped3A_15, %dma_wait3A_459, %dma_wait3A_460] : memref<3x80x128xf32, #tpu.memory_space<vmem>> -> memref<1x80x128xf32, #tpu.memory_space<vmem>>
      %dma_wait3A_462 = tpu.memref_squeeze %dma_wait3A_461 : memref<1x80x128xf32, #tpu.memory_space<vmem>> -> memref<80x128xf32, #tpu.memory_space<vmem>>
      tpu.wait_dma2 semaphore(%run_scoped3A_438 : memref<!tpu.dma_semaphore, #tpu.memory_space<semaphore_mem>>) src(%dma_wait3A_462 : memref<80x128xf32, #tpu.memory_space<vmem>>) dst(%dma_wait3A_458 : memref<80x128xf32, #tpu.memory_space<vmem_shared>>)
      tpu.yield
    }) : () -> ()
    %add3A_16 = arith.constant 160 : i32
    %add3A_17 = arith.addi %mul3A_9, %add3A_16 : i32
    %run_scoped3A_18 = arith.constant 0 : i32
    "tpu.region"() ({
      %run_scoped3A_438 = tpu.sem_alloc : memref<!tpu.dma_semaphore, #tpu.memory_space<semaphore_mem>>
      %dma_start3A_439 = arith.constant 0 : i32
      %dma_start3A_440 = arith.constant 0 : i32
      %dma_start3A_441 = tpu.memref_slice %arg7[%run_scoped3A_18, %dma_start3A_439, %dma_start3A_440] : memref<3x80x128xf32, #tpu.memory_space<vmem>> -> memref<1x80x128xf32, #tpu.memory_space<vmem>>
      %dma_start3A_442 = tpu.memref_squeeze %dma_start3A_441 : memref<1x80x128xf32, #tpu.memory_space<vmem>> -> memref<80x128xf32, #tpu.memory_space<vmem>>
      %dma_start3A_443 = arith.constant 0 : i32
      %dma_start3A_444 = tpu.memref_slice %arg8[%add3A_17, %dma_start3A_443] : memref<10112x128xf32, #tpu.memory_space<vmem_shared>> -> memref<80x128xf32, #tpu.memory_space<vmem_shared>>
      %dma_start3A_445 = arith.constant 0 : i32
      %dma_start3A_446 = tpu.memref_slice %arg8[%add3A_17, %dma_start3A_445] : memref<10112x128xf32, #tpu.memory_space<vmem_shared>> -> memref<80x128xf32, #tpu.memory_space<vmem_shared>>
      %dma_start3A_447 = arith.constant 0 : i32
      %dma_start3A_448 = arith.constant 0 : i32
      %dma_start3A_449 = tpu.memref_slice %arg7[%run_scoped3A_18, %dma_start3A_447, %dma_start3A_448] : memref<3x80x128xf32, #tpu.memory_space<vmem>> -> memref<1x80x128xf32, #tpu.memory_space<vmem>>
      %dma_start3A_450 = tpu.memref_squeeze %dma_start3A_449 : memref<1x80x128xf32, #tpu.memory_space<vmem>> -> memref<80x128xf32, #tpu.memory_space<vmem>>
      tpu.enqueue_dma source(%dma_start3A_450 : memref<80x128xf32, #tpu.memory_space<vmem>>) target(%dma_start3A_446 : memref<80x128xf32, #tpu.memory_space<vmem_shared>>) target_semaphore(%run_scoped3A_438 : memref<!tpu.dma_semaphore, #tpu.memory_space<semaphore_mem>>)
      %dma_wait3A_451 = arith.constant 0 : i32
      %dma_wait3A_452 = arith.constant 0 : i32
      %dma_wait3A_453 = tpu.memref_slice %arg7[%run_scoped3A_18, %dma_wait3A_451, %dma_wait3A_452] : memref<3x80x128xf32, #tpu.memory_space<vmem>> -> memref<1x80x128xf32, #tpu.memory_space<vmem>>
      %dma_wait3A_454 = tpu.memref_squeeze %dma_wait3A_453 : memref<1x80x128xf32, #tpu.memory_space<vmem>> -> memref<80x128xf32, #tpu.memory_space<vmem>>
      %dma_wait3A_455 = arith.constant 0 : i32
      %dma_wait3A_456 = tpu.memref_slice %arg8[%add3A_17, %dma_wait3A_455] : memref<10112x128xf32, #tpu.memory_space<vmem_shared>> -> memref<80x128xf32, #tpu.memory_space<vmem_shared>>
      %dma_wait3A_457 = arith.constant 0 : i32
      %dma_wait3A_458 = tpu.memref_slice %arg8[%add3A_17, %dma_wait3A_457] : memref<10112x128xf32, #tpu.memory_space<vmem_shared>> -> memref<80x128xf32, #tpu.memory_space<vmem_shared>>
      %dma_wait3A_459 = arith.constant 0 : i32
      %dma_wait3A_460 = arith.constant 0 : i32
      %dma_wait3A_461 = tpu.memref_slice %arg7[%run_scoped3A_18, %dma_wait3A_459, %dma_wait3A_460] : memref<3x80x128xf32, #tpu.memory_space<vmem>> -> memref<1x80x128xf32, #tpu.memory_space<vmem>>
      %dma_wait3A_462 = tpu.memref_squeeze %dma_wait3A_461 : memref<1x80x128xf32, #tpu.memory_space<vmem>> -> memref<80x128xf32, #tpu.memory_space<vmem>>
      tpu.wait_dma2 semaphore(%run_scoped3A_438 : memref<!tpu.dma_semaphore, #tpu.memory_space<semaphore_mem>>) src(%dma_wait3A_462 : memref<80x128xf32, #tpu.memory_space<vmem>>) dst(%dma_wait3A_458 : memref<80x128xf32, #tpu.memory_space<vmem_shared>>)
      tpu.yield
    }) : () -> ()
    %add3A_19 = arith.constant 240 : i32
    %add3A_20 = arith.addi %mul3A_9, %add3A_19 : i32
    %run_scoped3A_21 = arith.constant 0 : i32
    "tpu.region"() ({
      %run_scoped3A_438 = tpu.sem_alloc : memref<!tpu.dma_semaphore, #tpu.memory_space<semaphore_mem>>
      %dma_start3A_439 = arith.constant 0 : i32
      %dma_start3A_440 = arith.constant 0 : i32
      %dma_start3A_441 = tpu.memref_slice %arg7[%run_scoped3A_21, %dma_start3A_439, %dma_start3A_440] : memref<3x80x128xf32, #tpu.memory_space<vmem>> -> memref<1x80x128xf32, #tpu.memory_space<vmem>>
      %dma_start3A_442 = tpu.memref_squeeze %dma_start3A_441 : memref<1x80x128xf32, #tpu.memory_space<vmem>> -> memref<80x128xf32, #tpu.memory_space<vmem>>
      %dma_start3A_443 = arith.constant 0 : i32
      %dma_start3A_444 = tpu.memref_slice %arg8[%add3A_20, %dma_start3A_443] : memref<10112x128xf32, #tpu.memory_space<vmem_shared>> -> memref<80x128xf32, #tpu.memory_space<vmem_shared>>
      %dma_start3A_445 = arith.constant 0 : i32
      %dma_start3A_446 = tpu.memref_slice %arg8[%add3A_20, %dma_start3A_445] : memref<10112x128xf32, #tpu.memory_space<vmem_shared>> -> memref<80x128xf32, #tpu.memory_space<vmem_shared>>
      %dma_start3A_447 = arith.constant 0 : i32
      %dma_start3A_448 = arith.constant 0 : i32
      %dma_start3A_449 = tpu.memref_slice %arg7[%run_scoped3A_21, %dma_start3A_447, %dma_start3A_448] : memref<3x80x128xf32, #tpu.memory_space<vmem>> -> memref<1x80x128xf32, #tpu.memory_space<vmem>>
      %dma_start3A_450 = tpu.memref_squeeze %dma_start3A_449 : memref<1x80x128xf32, #tpu.memory_space<vmem>> -> memref<80x128xf32, #tpu.memory_space<vmem>>
      tpu.enqueue_dma source(%dma_start3A_450 : memref<80x128xf32, #tpu.memory_space<vmem>>) target(%dma_start3A_446 : memref<80x128xf32, #tpu.memory_space<vmem_shared>>) target_semaphore(%run_scoped3A_438 : memref<!tpu.dma_semaphore, #tpu.memory_space<semaphore_mem>>)
      %dma_wait3A_451 = arith.constant 0 : i32
      %dma_wait3A_452 = arith.constant 0 : i32
      %dma_wait3A_453 = tpu.memref_slice %arg7[%run_scoped3A_21, %dma_wait3A_451, %dma_wait3A_452] : memref<3x80x128xf32, #tpu.memory_space<vmem>> -> memref<1x80x128xf32, #tpu.memory_space<vmem>>
      %dma_wait3A_454 = tpu.memref_squeeze %dma_wait3A_453 : memref<1x80x128xf32, #tpu.memory_space<vmem>> -> memref<80x128xf32, #tpu.memory_space<vmem>>
      %dma_wait3A_455 = arith.constant 0 : i32
      %dma_wait3A_456 = tpu.memref_slice %arg8[%add3A_20, %dma_wait3A_455] : memref<10112x128xf32, #tpu.memory_space<vmem_shared>> -> memref<80x128xf32, #tpu.memory_space<vmem_shared>>
      %dma_wait3A_457 = arith.constant 0 : i32
      %dma_wait3A_458 = tpu.memref_slice %arg8[%add3A_20, %dma_wait3A_457] : memref<10112x128xf32, #tpu.memory_space<vmem_shared>> -> memref<80x128xf32, #tpu.memory_space<vmem_shared>>
      %dma_wait3A_459 = arith.constant 0 : i32
      %dma_wait3A_460 = arith.constant 0 : i32
      %dma_wait3A_461 = tpu.memref_slice %arg7[%run_scoped3A_21, %dma_wait3A_459, %dma_wait3A_460] : memref<3x80x128xf32, #tpu.memory_space<vmem>> -> memref<1x80x128xf32, #tpu.memory_space<vmem>>
      %dma_wait3A_462 = tpu.memref_squeeze %dma_wait3A_461 : memref<1x80x128xf32, #tpu.memory_space<vmem>> -> memref<80x128xf32, #tpu.memory_space<vmem>>
      tpu.wait_dma2 semaphore(%run_scoped3A_438 : memref<!tpu.dma_semaphore, #tpu.memory_space<semaphore_mem>>) src(%dma_wait3A_462 : memref<80x128xf32, #tpu.memory_space<vmem>>) dst(%dma_wait3A_458 : memref<80x128xf32, #tpu.memory_space<vmem_shared>>)
      tpu.yield
    }) : () -> ()
    %add3A_22 = arith.constant 320 : i32
    %add3A_23 = arith.addi %mul3A_9, %add3A_22 : i32
    %run_scoped3A_24 = arith.constant 0 : i32
    "tpu.region"() ({
      %run_scoped3A_438 = tpu.sem_alloc : memref<!tpu.dma_semaphore, #tpu.memory_space<semaphore_mem>>
      %dma_start3A_439 = arith.constant 0 : i32
      %dma_start3A_440 = arith.constant 0 : i32
      %dma_start3A_441 = tpu.memref_slice %arg7[%run_scoped3A_24, %dma_start3A_439, %dma_start3A_440] : memref<3x80x128xf32, #tpu.memory_space<vmem>> -> memref<1x80x128xf32, #tpu.memory_space<vmem>>
      %dma_start3A_442 = tpu.memref_squeeze %dma_start3A_441 : memref<1x80x128xf32, #tpu.memory_space<vmem>> -> memref<80x128xf32, #tpu.memory_space<vmem>>
      %dma_start3A_443 = arith.constant 0 : i32
      %dma_start3A_444 = tpu.memref_slice %arg8[%add3A_23, %dma_start3A_443] : memref<10112x128xf32, #tpu.memory_space<vmem_shared>> -> memref<80x128xf32, #tpu.memory_space<vmem_shared>>
      %dma_start3A_445 = arith.constant 0 : i32
      %dma_start3A_446 = tpu.memref_slice %arg8[%add3A_23, %dma_start3A_445] : memref<10112x128xf32, #tpu.memory_space<vmem_shared>> -> memref<80x128xf32, #tpu.memory_space<vmem_shared>>
      %dma_start3A_447 = arith.constant 0 : i32
      %dma_start3A_448 = arith.constant 0 : i32
      %dma_start3A_449 = tpu.memref_slice %arg7[%run_scoped3A_24, %dma_start3A_447, %dma_start3A_448] : memref<3x80x128xf32, #tpu.memory_space<vmem>> -> memref<1x80x128xf32, #tpu.memory_space<vmem>>
      %dma_start3A_450 = tpu.memref_squeeze %dma_start3A_449 : memref<1x80x128xf32, #tpu.memory_space<vmem>> -> memref<80x128xf32, #tpu.memory_space<vmem>>
      tpu.enqueue_dma source(%dma_start3A_450 : memref<80x128xf32, #tpu.memory_space<vmem>>) target(%dma_start3A_446 : memref<80x128xf32, #tpu.memory_space<vmem_shared>>) target_semaphore(%run_scoped3A_438 : memref<!tpu.dma_semaphore, #tpu.memory_space<semaphore_mem>>)
      %dma_wait3A_451 = arith.constant 0 : i32
      %dma_wait3A_452 = arith.constant 0 : i32
      %dma_wait3A_453 = tpu.memref_slice %arg7[%run_scoped3A_24, %dma_wait3A_451, %dma_wait3A_452] : memref<3x80x128xf32, #tpu.memory_space<vmem>> -> memref<1x80x128xf32, #tpu.memory_space<vmem>>
      %dma_wait3A_454 = tpu.memref_squeeze %dma_wait3A_453 : memref<1x80x128xf32, #tpu.memory_space<vmem>> -> memref<80x128xf32, #tpu.memory_space<vmem>>
      %dma_wait3A_455 = arith.constant 0 : i32
      %dma_wait3A_456 = tpu.memref_slice %arg8[%add3A_23, %dma_wait3A_455] : memref<10112x128xf32, #tpu.memory_space<vmem_shared>> -> memref<80x128xf32, #tpu.memory_space<vmem_shared>>
      %dma_wait3A_457 = arith.constant 0 : i32
      %dma_wait3A_458 = tpu.memref_slice %arg8[%add3A_23, %dma_wait3A_457] : memref<10112x128xf32, #tpu.memory_space<vmem_shared>> -> memref<80x128xf32, #tpu.memory_space<vmem_shared>>
      %dma_wait3A_459 = arith.constant 0 : i32
      %dma_wait3A_460 = arith.constant 0 : i32
      %dma_wait3A_461 = tpu.memref_slice %arg7[%run_scoped3A_24, %dma_wait3A_459, %dma_wait3A_460] : memref<3x80x128xf32, #tpu.memory_space<vmem>> -> memref<1x80x128xf32, #tpu.memory_space<vmem>>
      %dma_wait3A_462 = tpu.memref_squeeze %dma_wait3A_461 : memref<1x80x128xf32, #tpu.memory_space<vmem>> -> memref<80x128xf32, #tpu.memory_space<vmem>>
      tpu.wait_dma2 semaphore(%run_scoped3A_438 : memref<!tpu.dma_semaphore, #tpu.memory_space<semaphore_mem>>) src(%dma_wait3A_462 : memref<80x128xf32, #tpu.memory_space<vmem>>) dst(%dma_wait3A_458 : memref<80x128xf32, #tpu.memory_space<vmem_shared>>)
      tpu.yield
    }) : () -> ()
    %add3A_25 = arith.constant 400 : i32
    %add3A_26 = arith.addi %mul3A_9, %add3A_25 : i32
    %run_scoped3A_27 = arith.constant 0 : i32
    "tpu.region"() ({
      %run_scoped3A_438 = tpu.sem_alloc : memref<!tpu.dma_semaphore, #tpu.memory_space<semaphore_mem>>
      %dma_start3A_439 = arith.constant 0 : i32
      %dma_start3A_440 = arith.constant 0 : i32
      %dma_start3A_441 = tpu.memref_slice %arg7[%run_scoped3A_27, %dma_start3A_439, %dma_start3A_440] : memref<3x80x128xf32, #tpu.memory_space<vmem>> -> memref<1x80x128xf32, #tpu.memory_space<vmem>>
      %dma_start3A_442 = tpu.memref_squeeze %dma_start3A_441 : memref<1x80x128xf32, #tpu.memory_space<vmem>> -> memref<80x128xf32, #tpu.memory_space<vmem>>
      %dma_start3A_443 = arith.constant 0 : i32
      %dma_start3A_444 = tpu.memref_slice %arg8[%add3A_26, %dma_start3A_443] : memref<10112x128xf32, #tpu.memory_space<vmem_shared>> -> memref<80x128xf32, #tpu.memory_space<vmem_shared>>
      %dma_start3A_445 = arith.constant 0 : i32
      %dma_start3A_446 = tpu.memref_slice %arg8[%add3A_26, %dma_start3A_445] : memref<10112x128xf32, #tpu.memory_space<vmem_shared>> -> memref<80x128xf32, #tpu.memory_space<vmem_shared>>
      %dma_start3A_447 = arith.constant 0 : i32
      %dma_start3A_448 = arith.constant 0 : i32
      %dma_start3A_449 = tpu.memref_slice %arg7[%run_scoped3A_27, %dma_start3A_447, %dma_start3A_448] : memref<3x80x128xf32, #tpu.memory_space<vmem>> -> memref<1x80x128xf32, #tpu.memory_space<vmem>>
      %dma_start3A_450 = tpu.memref_squeeze %dma_start3A_449 : memref<1x80x128xf32, #tpu.memory_space<vmem>> -> memref<80x128xf32, #tpu.memory_space<vmem>>
      tpu.enqueue_dma source(%dma_start3A_450 : memref<80x128xf32, #tpu.memory_space<vmem>>) target(%dma_start3A_446 : memref<80x128xf32, #tpu.memory_space<vmem_shared>>) target_semaphore(%run_scoped3A_438 : memref<!tpu.dma_semaphore, #tpu.memory_space<semaphore_mem>>)
      %dma_wait3A_451 = arith.constant 0 : i32
      %dma_wait3A_452 = arith.constant 0 : i32
      %dma_wait3A_453 = tpu.memref_slice %arg7[%run_scoped3A_27, %dma_wait3A_451, %dma_wait3A_452] : memref<3x80x128xf32, #tpu.memory_space<vmem>> -> memref<1x80x128xf32, #tpu.memory_space<vmem>>
      %dma_wait3A_454 = tpu.memref_squeeze %dma_wait3A_453 : memref<1x80x128xf32, #tpu.memory_space<vmem>> -> memref<80x128xf32, #tpu.memory_space<vmem>>
      %dma_wait3A_455 = arith.constant 0 : i32
      %dma_wait3A_456 = tpu.memref_slice %arg8[%add3A_26, %dma_wait3A_455] : memref<10112x128xf32, #tpu.memory_space<vmem_shared>> -> memref<80x128xf32, #tpu.memory_space<vmem_shared>>
      %dma_wait3A_457 = arith.constant 0 : i32
      %dma_wait3A_458 = tpu.memref_slice %arg8[%add3A_26, %dma_wait3A_457] : memref<10112x128xf32, #tpu.memory_space<vmem_shared>> -> memref<80x128xf32, #tpu.memory_space<vmem_shared>>
      %dma_wait3A_459 = arith.constant 0 : i32
      %dma_wait3A_460 = arith.constant 0 : i32
      %dma_wait3A_461 = tpu.memref_slice %arg7[%run_scoped3A_27, %dma_wait3A_459, %dma_wait3A_460] : memref<3x80x128xf32, #tpu.memory_space<vmem>> -> memref<1x80x128xf32, #tpu.memory_space<vmem>>
      %dma_wait3A_462 = tpu.memref_squeeze %dma_wait3A_461 : memref<1x80x128xf32, #tpu.memory_space<vmem>> -> memref<80x128xf32, #tpu.memory_space<vmem>>
      tpu.wait_dma2 semaphore(%run_scoped3A_438 : memref<!tpu.dma_semaphore, #tpu.memory_space<semaphore_mem>>) src(%dma_wait3A_462 : memref<80x128xf32, #tpu.memory_space<vmem>>) dst(%dma_wait3A_458 : memref<80x128xf32, #tpu.memory_space<vmem_shared>>)
      tpu.yield
    }) : () -> ()
    %add3A_28 = arith.constant 480 : i32
    %add3A_29 = arith.addi %mul3A_9, %add3A_28 : i32
    %run_scoped3A_30 = arith.constant 0 : i32
    "tpu.region"() ({
      %run_scoped3A_438 = tpu.sem_alloc : memref<!tpu.dma_semaphore, #tpu.memory_space<semaphore_mem>>
      %dma_start3A_439 = arith.constant 0 : i32
      %dma_start3A_440 = arith.constant 0 : i32
      %dma_start3A_441 = tpu.memref_slice %arg7[%run_scoped3A_30, %dma_start3A_439, %dma_start3A_440] : memref<3x80x128xf32, #tpu.memory_space<vmem>> -> memref<1x80x128xf32, #tpu.memory_space<vmem>>
      %dma_start3A_442 = tpu.memref_squeeze %dma_start3A_441 : memref<1x80x128xf32, #tpu.memory_space<vmem>> -> memref<80x128xf32, #tpu.memory_space<vmem>>
      %dma_start3A_443 = arith.constant 0 : i32
      %dma_start3A_444 = tpu.memref_slice %arg8[%add3A_29, %dma_start3A_443] : memref<10112x128xf32, #tpu.memory_space<vmem_shared>> -> memref<80x128xf32, #tpu.memory_space<vmem_shared>>
      %dma_start3A_445 = arith.constant 0 : i32
      %dma_start3A_446 = tpu.memref_slice %arg8[%add3A_29, %dma_start3A_445] : memref<10112x128xf32, #tpu.memory_space<vmem_shared>> -> memref<80x128xf32, #tpu.memory_space<vmem_shared>>
      %dma_start3A_447 = arith.constant 0 : i32
      %dma_start3A_448 = arith.constant 0 : i32
      %dma_start3A_449 = tpu.memref_slice %arg7[%run_scoped3A_30, %dma_start3A_447, %dma_start3A_448] : memref<3x80x128xf32, #tpu.memory_space<vmem>> -> memref<1x80x128xf32, #tpu.memory_space<vmem>>
      %dma_start3A_450 = tpu.memref_squeeze %dma_start3A_449 : memref<1x80x128xf32, #tpu.memory_space<vmem>> -> memref<80x128xf32, #tpu.memory_space<vmem>>
      tpu.enqueue_dma source(%dma_start3A_450 : memref<80x128xf32, #tpu.memory_space<vmem>>) target(%dma_start3A_446 : memref<80x128xf32, #tpu.memory_space<vmem_shared>>) target_semaphore(%run_scoped3A_438 : memref<!tpu.dma_semaphore, #tpu.memory_space<semaphore_mem>>)
      %dma_wait3A_451 = arith.constant 0 : i32
      %dma_wait3A_452 = arith.constant 0 : i32
      %dma_wait3A_453 = tpu.memref_slice %arg7[%run_scoped3A_30, %dma_wait3A_451, %dma_wait3A_452] : memref<3x80x128xf32, #tpu.memory_space<vmem>> -> memref<1x80x128xf32, #tpu.memory_space<vmem>>
      %dma_wait3A_454 = tpu.memref_squeeze %dma_wait3A_453 : memref<1x80x128xf32, #tpu.memory_space<vmem>> -> memref<80x128xf32, #tpu.memory_space<vmem>>
      %dma_wait3A_455 = arith.constant 0 : i32
      %dma_wait3A_456 = tpu.memref_slice %arg8[%add3A_29, %dma_wait3A_455] : memref<10112x128xf32, #tpu.memory_space<vmem_shared>> -> memref<80x128xf32, #tpu.memory_space<vmem_shared>>
      %dma_wait3A_457 = arith.constant 0 : i32
      %dma_wait3A_458 = tpu.memref_slice %arg8[%add3A_29, %dma_wait3A_457] : memref<10112x128xf32, #tpu.memory_space<vmem_shared>> -> memref<80x128xf32, #tpu.memory_space<vmem_shared>>
      %dma_wait3A_459 = arith.constant 0 : i32
      %dma_wait3A_460 = arith.constant 0 : i32
      %dma_wait3A_461 = tpu.memref_slice %arg7[%run_scoped3A_30, %dma_wait3A_459, %dma_wait3A_460] : memref<3x80x128xf32, #tpu.memory_space<vmem>> -> memref<1x80x128xf32, #tpu.memory_space<vmem>>
      %dma_wait3A_462 = tpu.memref_squeeze %dma_wait3A_461 : memref<1x80x128xf32, #tpu.memory_space<vmem>> -> memref<80x128xf32, #tpu.memory_space<vmem>>
      tpu.wait_dma2 semaphore(%run_scoped3A_438 : memref<!tpu.dma_semaphore, #tpu.memory_space<semaphore_mem>>) src(%dma_wait3A_462 : memref<80x128xf32, #tpu.memory_space<vmem>>) dst(%dma_wait3A_458 : memref<80x128xf32, #tpu.memory_space<vmem_shared>>)
      tpu.yield
    }) : () -> ()
    %add3A_31 = arith.constant 632 : i32
    %add3A_32 = arith.addi %mul3A_9, %add3A_31 : i32
    %sub3A = arith.constant 72 : i32
    %sub3A_33 = arith.subi %add3A_32, %sub3A : i32
    %run_scoped3A_34 = arith.constant 0 : i32
    "tpu.region"() ({
      %run_scoped3A_438 = tpu.sem_alloc : memref<!tpu.dma_semaphore, #tpu.memory_space<semaphore_mem>>
      %dma_start3A_439 = arith.constant 0 : i32
      %dma_start3A_440 = arith.constant 0 : i32
      %dma_start3A_441 = tpu.memref_slice %arg7[%run_scoped3A_34, %dma_start3A_439, %dma_start3A_440] : memref<3x80x128xf32, #tpu.memory_space<vmem>> -> memref<1x80x128xf32, #tpu.memory_space<vmem>>
      %dma_start3A_442 = tpu.memref_squeeze %dma_start3A_441 : memref<1x80x128xf32, #tpu.memory_space<vmem>> -> memref<80x128xf32, #tpu.memory_space<vmem>>
      %dma_start3A_443 = arith.constant 0 : i32
      %dma_start3A_444 = arith.constant 0 : i32
      %dma_start3A_445 = tpu.memref_slice %dma_start3A_442[%dma_start3A_443, %dma_start3A_444] : memref<80x128xf32, #tpu.memory_space<vmem>> -> memref<72x128xf32, #tpu.memory_space<vmem>>
      %dma_start3A_446 = arith.constant 0 : i32
      %dma_start3A_447 = tpu.memref_slice %arg8[%sub3A_33, %dma_start3A_446] : memref<10112x128xf32, #tpu.memory_space<vmem_shared>> -> memref<72x128xf32, #tpu.memory_space<vmem_shared>>
      %dma_start3A_448 = arith.constant 0 : i32
      %dma_start3A_449 = tpu.memref_slice %arg8[%sub3A_33, %dma_start3A_448] : memref<10112x128xf32, #tpu.memory_space<vmem_shared>> -> memref<72x128xf32, #tpu.memory_space<vmem_shared>>
      %dma_start3A_450 = arith.constant 0 : i32
      %dma_start3A_451 = arith.constant 0 : i32
      %dma_start3A_452 = tpu.memref_slice %arg7[%run_scoped3A_34, %dma_start3A_450, %dma_start3A_451] : memref<3x80x128xf32, #tpu.memory_space<vmem>> -> memref<1x80x128xf32, #tpu.memory_space<vmem>>
      %dma_start3A_453 = tpu.memref_squeeze %dma_start3A_452 : memref<1x80x128xf32, #tpu.memory_space<vmem>> -> memref<80x128xf32, #tpu.memory_space<vmem>>
      %dma_start3A_454 = arith.constant 0 : i32
      %dma_start3A_455 = arith.constant 0 : i32
      %dma_start3A_456 = tpu.memref_slice %dma_start3A_453[%dma_start3A_454, %dma_start3A_455] : memref<80x128xf32, #tpu.memory_space<vmem>> -> memref<72x128xf32, #tpu.memory_space<vmem>>
      tpu.enqueue_dma source(%dma_start3A_456 : memref<72x128xf32, #tpu.memory_space<vmem>>) target(%dma_start3A_449 : memref<72x128xf32, #tpu.memory_space<vmem_shared>>) target_semaphore(%run_scoped3A_438 : memref<!tpu.dma_semaphore, #tpu.memory_space<semaphore_mem>>)
      %dma_wait3A_457 = arith.constant 0 : i32
      %dma_wait3A_458 = arith.constant 0 : i32
      %dma_wait3A_459 = tpu.memref_slice %arg7[%run_scoped3A_34, %dma_wait3A_457, %dma_wait3A_458] : memref<3x80x128xf32, #tpu.memory_space<vmem>> -> memref<1x80x128xf32, #tpu.memory_space<vmem>>
      %dma_wait3A_460 = tpu.memref_squeeze %dma_wait3A_459 : memref<1x80x128xf32, #tpu.memory_space<vmem>> -> memref<80x128xf32, #tpu.memory_space<vmem>>
      %dma_wait3A_461 = arith.constant 0 : i32
      %dma_wait3A_462 = arith.constant 0 : i32
      %dma_wait3A_463 = tpu.memref_slice %dma_wait3A_460[%dma_wait3A_461, %dma_wait3A_462] : memref<80x128xf32, #tpu.memory_space<vmem>> -> memref<72x128xf32, #tpu.memory_space<vmem>>
      %dma_wait3A_464 = arith.constant 0 : i32
      %dma_wait3A_465 = tpu.memref_slice %arg8[%sub3A_33, %dma_wait3A_464] : memref<10112x128xf32, #tpu.memory_space<vmem_shared>> -> memref<72x128xf32, #tpu.memory_space<vmem_shared>>
      %dma_wait3A_466 = arith.constant 0 : i32
      %dma_wait3A_467 = tpu.memref_slice %arg8[%sub3A_33, %dma_wait3A_466] : memref<10112x128xf32, #tpu.memory_space<vmem_shared>> -> memref<72x128xf32, #tpu.memory_space<vmem_shared>>
      %dma_wait3A_468 = arith.constant 0 : i32
      %dma_wait3A_469 = arith.constant 0 : i32
      %dma_wait3A_470 = tpu.memref_slice %arg7[%run_scoped3A_34, %dma_wait3A_468, %dma_wait3A_469] : memref<3x80x128xf32, #tpu.memory_space<vmem>> -> memref<1x80x128xf32, #tpu.memory_space<vmem>>
      %dma_wait3A_471 = tpu.memref_squeeze %dma_wait3A_470 : memref<1x80x128xf32, #tpu.memory_space<vmem>> -> memref<80x128xf32, #tpu.memory_space<vmem>>
      %dma_wait3A_472 = arith.constant 0 : i32
      %dma_wait3A_473 = arith.constant 0 : i32
      %dma_wait3A_474 = tpu.memref_slice %dma_wait3A_471[%dma_wait3A_472, %dma_wait3A_473] : memref<80x128xf32, #tpu.memory_space<vmem>> -> memref<72x128xf32, #tpu.memory_space<vmem>>
      tpu.wait_dma2 semaphore(%run_scoped3A_438 : memref<!tpu.dma_semaphore, #tpu.memory_space<semaphore_mem>>) src(%dma_wait3A_474 : memref<72x128xf32, #tpu.memory_space<vmem>>) dst(%dma_wait3A_467 : memref<72x128xf32, #tpu.memory_space<vmem_shared>>)
      tpu.yield
    }) : () -> ()
    %barrier3A = arith.constant 0 : index
    tpu.barrier barrier_id(%barrier3A)
    %dma_start3A = arith.constant 0 : i32
    %dma_start3A_35 = arith.constant 0 : i32
    %dma_start3A_36 = arith.constant 0 : i32
    %dma_start3A_37 = arith.constant 0 : i32
    %dma_start3A_38 = tpu.memref_slice %arg7[%dma_start3A_35, %dma_start3A_36, %dma_start3A_37] : memref<3x80x128xf32, #tpu.memory_space<vmem>> -> memref<1x80x128xf32, #tpu.memory_space<vmem>>
    %dma_start3A_39 = tpu.memref_squeeze %dma_start3A_38 : memref<1x80x128xf32, #tpu.memory_space<vmem>> -> memref<80x128xf32, #tpu.memory_space<vmem>>
    %dma_start3A_40 = arith.constant 0 : i32
    %dma_start3A_41 = tpu.memref_slice %arg5[%dma_start3A, %dma_start3A_40] : memref<64x80xi32, #tpu.memory_space<vmem>> -> memref<1x80xi32, #tpu.memory_space<vmem>>
    %dma_start3A_42 = tpu.memref_squeeze %dma_start3A_41 : memref<1x80xi32, #tpu.memory_space<vmem>> -> memref<80xi32, #tpu.memory_space<vmem>>
    %dma_start3A_43 = arith.constant 0 : i32
    %dma_start3A_44 = arith.constant 0 : i32
    %dma_start3A_45 = tpu.memref_slice %arg2[%dma_start3A_43, %dma_start3A_44] : memref<10000x128xf32, #tpu.memory_space<hbm>> -> memref<10000x128xf32, #tpu.memory_space<hbm>>
    tpu.enqueue_indirect_dma source(%dma_start3A_45 : memref<10000x128xf32, #tpu.memory_space<hbm>>) target(%dma_start3A_39 : memref<80x128xf32, #tpu.memory_space<vmem>>) offsets(%dma_start3A_42 : memref<80xi32, #tpu.memory_space<vmem>>) semaphore(%arg9 : memref<!tpu.dma_semaphore, #tpu.memory_space<semaphore_mem>>)
    %dma_start3A_46 = arith.constant 1 : i32
    %dma_start3A_47 = arith.constant 1 : i32
    %dma_start3A_48 = arith.constant 0 : i32
    %dma_start3A_49 = arith.constant 0 : i32
    %dma_start3A_50 = tpu.memref_slice %arg7[%dma_start3A_47, %dma_start3A_48, %dma_start3A_49] : memref<3x80x128xf32, #tpu.memory_space<vmem>> -> memref<1x80x128xf32, #tpu.memory_space<vmem>>
    %dma_start3A_51 = tpu.memref_squeeze %dma_start3A_50 : memref<1x80x128xf32, #tpu.memory_space<vmem>> -> memref<80x128xf32, #tpu.memory_space<vmem>>
    %dma_start3A_52 = arith.constant 0 : i32
    %dma_start3A_53 = tpu.memref_slice %arg5[%dma_start3A_46, %dma_start3A_52] : memref<64x80xi32, #tpu.memory_space<vmem>> -> memref<1x80xi32, #tpu.memory_space<vmem>>
    %dma_start3A_54 = tpu.memref_squeeze %dma_start3A_53 : memref<1x80xi32, #tpu.memory_space<vmem>> -> memref<80xi32, #tpu.memory_space<vmem>>
    %dma_start3A_55 = arith.constant 0 : i32
    %dma_start3A_56 = arith.constant 0 : i32
    %dma_start3A_57 = tpu.memref_slice %arg2[%dma_start3A_55, %dma_start3A_56] : memref<10000x128xf32, #tpu.memory_space<hbm>> -> memref<10000x128xf32, #tpu.memory_space<hbm>>
    tpu.enqueue_indirect_dma source(%dma_start3A_57 : memref<10000x128xf32, #tpu.memory_space<hbm>>) target(%dma_start3A_51 : memref<80x128xf32, #tpu.memory_space<vmem>>) offsets(%dma_start3A_54 : memref<80xi32, #tpu.memory_space<vmem>>) semaphore(%arg10 : memref<!tpu.dma_semaphore, #tpu.memory_space<semaphore_mem>>)
    %dma_start3A_58 = arith.constant 2 : i32
    %dma_start3A_59 = arith.constant 2 : i32
    %dma_start3A_60 = arith.constant 0 : i32
    %dma_start3A_61 = arith.constant 0 : i32
    %dma_start3A_62 = tpu.memref_slice %arg7[%dma_start3A_59, %dma_start3A_60, %dma_start3A_61] : memref<3x80x128xf32, #tpu.memory_space<vmem>> -> memref<1x80x128xf32, #tpu.memory_space<vmem>>
    %dma_start3A_63 = tpu.memref_squeeze %dma_start3A_62 : memref<1x80x128xf32, #tpu.memory_space<vmem>> -> memref<80x128xf32, #tpu.memory_space<vmem>>
    %dma_start3A_64 = arith.constant 0 : i32
    %dma_start3A_65 = tpu.memref_slice %arg5[%dma_start3A_58, %dma_start3A_64] : memref<64x80xi32, #tpu.memory_space<vmem>> -> memref<1x80xi32, #tpu.memory_space<vmem>>
    %dma_start3A_66 = tpu.memref_squeeze %dma_start3A_65 : memref<1x80xi32, #tpu.memory_space<vmem>> -> memref<80xi32, #tpu.memory_space<vmem>>
    %dma_start3A_67 = arith.constant 0 : i32
    %dma_start3A_68 = arith.constant 0 : i32
    %dma_start3A_69 = tpu.memref_slice %arg2[%dma_start3A_67, %dma_start3A_68] : memref<10000x128xf32, #tpu.memory_space<hbm>> -> memref<10000x128xf32, #tpu.memory_space<hbm>>
    tpu.enqueue_indirect_dma source(%dma_start3A_69 : memref<10000x128xf32, #tpu.memory_space<hbm>>) target(%dma_start3A_63 : memref<80x128xf32, #tpu.memory_space<vmem>>) offsets(%dma_start3A_66 : memref<80xi32, #tpu.memory_space<vmem>>) semaphore(%arg11 : memref<!tpu.dma_semaphore, #tpu.memory_space<semaphore_mem>>)
    %scan3A_70 = arith.constant 0 : i32
    %scan3A_71 = arith.constant 0 : i32
    %scan3A_72 = arith.constant 20 : i32
    %scan3A_73 = arith.addi %scan3A_71, %scan3A_72 : i32
    %scan3A_74 = arith.constant 1 : i32
    %scan3A_75 = scf.for %scan3A_438 = %scan3A_71 to %scan3A_73 step %scan3A_74 iter_args(%scan3A_439 = %scan3A_70) -> (i32)  : i32 {
      %mul3A_440 = arith.constant 3 : i32
      %mul3A_441 = arith.muli %scan3A_438, %mul3A_440 : i32
      %add3A_442 = arith.constant 0 : i32
      %add3A_443 = arith.addi %mul3A_441, %add3A_442 : i32
      %dma_wait3A_444 = arith.constant 0 : i32
      %dma_wait3A_445 = arith.constant 0 : i32
      %dma_wait3A_446 = arith.constant 0 : i32
      %dma_wait3A_447 = tpu.memref_slice %arg7[%dma_wait3A_444, %dma_wait3A_445, %dma_wait3A_446] : memref<3x80x128xf32, #tpu.memory_space<vmem>> -> memref<1x80x128xf32, #tpu.memory_space<vmem>>
      %dma_wait3A_448 = tpu.memref_squeeze %dma_wait3A_447 : memref<1x80x128xf32, #tpu.memory_space<vmem>> -> memref<80x128xf32, #tpu.memory_space<vmem>>
      %dma_wait3A_449 = arith.constant 0 : i32
      %dma_wait3A_450 = tpu.memref_slice %arg5[%add3A_443, %dma_wait3A_449] : memref<64x80xi32, #tpu.memory_space<vmem>> -> memref<1x80xi32, #tpu.memory_space<vmem>>
      %dma_wait3A_451 = tpu.memref_squeeze %dma_wait3A_450 : memref<1x80xi32, #tpu.memory_space<vmem>> -> memref<80xi32, #tpu.memory_space<vmem>>
      %dma_wait3A_452 = arith.constant 0 : i32
      %dma_wait3A_453 = arith.constant 0 : i32
      %dma_wait3A_454 = tpu.memref_slice %arg2[%dma_wait3A_452, %dma_wait3A_453] : memref<10000x128xf32, #tpu.memory_space<hbm>> -> memref<10000x128xf32, #tpu.memory_space<hbm>>
      tpu.wait_indirect_dma semaphore(%arg9 : memref<!tpu.dma_semaphore, #tpu.memory_space<semaphore_mem>>) src(%dma_wait3A_454 : memref<10000x128xf32, #tpu.memory_space<hbm>>) dst(%dma_wait3A_448 : memref<80x128xf32, #tpu.memory_space<vmem>>)
      %dma_start3A_455 = arith.constant 0 : i32
      %dma_start3A_456 = arith.constant 0 : i32
      %dma_start3A_457 = arith.constant 0 : i32
      %dma_start3A_458 = tpu.memref_slice %arg7[%dma_start3A_455, %dma_start3A_456, %dma_start3A_457] : memref<3x80x128xf32, #tpu.memory_space<vmem>> -> memref<1x80x128xf32, #tpu.memory_space<vmem>>
      %dma_start3A_459 = tpu.memref_squeeze %dma_start3A_458 : memref<1x80x128xf32, #tpu.memory_space<vmem>> -> memref<80x128xf32, #tpu.memory_space<vmem>>
      %dma_start3A_460 = arith.constant 0 : i32
      %dma_start3A_461 = tpu.memref_slice %arg6[%add3A_443, %dma_start3A_460] : memref<64x80xi32, #tpu.memory_space<vmem>> -> memref<1x80xi32, #tpu.memory_space<vmem>>
      %dma_start3A_462 = tpu.memref_squeeze %dma_start3A_461 : memref<1x80xi32, #tpu.memory_space<vmem>> -> memref<80xi32, #tpu.memory_space<vmem>>
      %dma_start3A_463 = arith.constant 0 : i32
      %dma_start3A_464 = arith.constant 0 : i32
      %dma_start3A_465 = tpu.memref_slice %arg8[%dma_start3A_463, %dma_start3A_464] : memref<10112x128xf32, #tpu.memory_space<vmem_shared>> -> memref<10112x128xf32, #tpu.memory_space<vmem_shared>>
      tpu.enqueue_indirect_dma source(%dma_start3A_459 : memref<80x128xf32, #tpu.memory_space<vmem>>) target(%dma_start3A_465 : memref<10112x128xf32, #tpu.memory_space<vmem_shared>>) offsets(%dma_start3A_462 : memref<80xi32, #tpu.memory_space<vmem>>) semaphore(%arg12 : memref<!tpu.dma_semaphore, #tpu.memory_space<semaphore_mem>>) {add = true}
      %dma_wait3A_466 = arith.constant 0 : i32
      %dma_wait3A_467 = arith.constant 0 : i32
      %dma_wait3A_468 = arith.constant 0 : i32
      %dma_wait3A_469 = tpu.memref_slice %arg7[%dma_wait3A_466, %dma_wait3A_467, %dma_wait3A_468] : memref<3x80x128xf32, #tpu.memory_space<vmem>> -> memref<1x80x128xf32, #tpu.memory_space<vmem>>
      %dma_wait3A_470 = tpu.memref_squeeze %dma_wait3A_469 : memref<1x80x128xf32, #tpu.memory_space<vmem>> -> memref<80x128xf32, #tpu.memory_space<vmem>>
      %dma_wait3A_471 = arith.constant 0 : i32
      %dma_wait3A_472 = tpu.memref_slice %arg6[%add3A_443, %dma_wait3A_471] : memref<64x80xi32, #tpu.memory_space<vmem>> -> memref<1x80xi32, #tpu.memory_space<vmem>>
      %dma_wait3A_473 = tpu.memref_squeeze %dma_wait3A_472 : memref<1x80xi32, #tpu.memory_space<vmem>> -> memref<80xi32, #tpu.memory_space<vmem>>
      %dma_wait3A_474 = arith.constant 0 : i32
      %dma_wait3A_475 = arith.constant 0 : i32
      %dma_wait3A_476 = tpu.memref_slice %arg8[%dma_wait3A_474, %dma_wait3A_475] : memref<10112x128xf32, #tpu.memory_space<vmem_shared>> -> memref<10112x128xf32, #tpu.memory_space<vmem_shared>>
      tpu.wait_indirect_dma semaphore(%arg12 : memref<!tpu.dma_semaphore, #tpu.memory_space<semaphore_mem>>) src(%dma_wait3A_470 : memref<80x128xf32, #tpu.memory_space<vmem>>) dst(%dma_wait3A_476 : memref<10112x128xf32, #tpu.memory_space<vmem_shared>>)
      %add3A_477 = arith.constant 3 : i32
      %add3A_478 = arith.addi %add3A_443, %add3A_477 : i32
      %dma_start3A_479 = arith.constant 0 : i32
      %dma_start3A_480 = arith.constant 0 : i32
      %dma_start3A_481 = arith.constant 0 : i32
      %dma_start3A_482 = tpu.memref_slice %arg7[%dma_start3A_479, %dma_start3A_480, %dma_start3A_481] : memref<3x80x128xf32, #tpu.memory_space<vmem>> -> memref<1x80x128xf32, #tpu.memory_space<vmem>>
      %dma_start3A_483 = tpu.memref_squeeze %dma_start3A_482 : memref<1x80x128xf32, #tpu.memory_space<vmem>> -> memref<80x128xf32, #tpu.memory_space<vmem>>
      %dma_start3A_484 = arith.constant 0 : i32
      %dma_start3A_485 = tpu.memref_slice %arg5[%add3A_478, %dma_start3A_484] : memref<64x80xi32, #tpu.memory_space<vmem>> -> memref<1x80xi32, #tpu.memory_space<vmem>>
      %dma_start3A_486 = tpu.memref_squeeze %dma_start3A_485 : memref<1x80xi32, #tpu.memory_space<vmem>> -> memref<80xi32, #tpu.memory_space<vmem>>
      %dma_start3A_487 = arith.constant 0 : i32
      %dma_start3A_488 = arith.constant 0 : i32
      %dma_start3A_489 = tpu.memref_slice %arg2[%dma_start3A_487, %dma_start3A_488] : memref<10000x128xf32, #tpu.memory_space<hbm>> -> memref<10000x128xf32, #tpu.memory_space<hbm>>
      tpu.enqueue_indirect_dma source(%dma_start3A_489 : memref<10000x128xf32, #tpu.memory_space<hbm>>) target(%dma_start3A_483 : memref<80x128xf32, #tpu.memory_space<vmem>>) offsets(%dma_start3A_486 : memref<80xi32, #tpu.memory_space<vmem>>) semaphore(%arg9 : memref<!tpu.dma_semaphore, #tpu.memory_space<semaphore_mem>>)
      %mul3A_490 = arith.constant 3 : i32
      %mul3A_491 = arith.muli %scan3A_438, %mul3A_490 : i32
      %add3A_492 = arith.constant 1 : i32
      %add3A_493 = arith.addi %mul3A_491, %add3A_492 : i32
      %dma_wait3A_494 = arith.constant 1 : i32
      %dma_wait3A_495 = arith.constant 0 : i32
      %dma_wait3A_496 = arith.constant 0 : i32
      %dma_wait3A_497 = tpu.memref_slice %arg7[%dma_wait3A_494, %dma_wait3A_495, %dma_wait3A_496] : memref<3x80x128xf32, #tpu.memory_space<vmem>> -> memref<1x80x128xf32, #tpu.memory_space<vmem>>
      %dma_wait3A_498 = tpu.memref_squeeze %dma_wait3A_497 : memref<1x80x128xf32, #tpu.memory_space<vmem>> -> memref<80x128xf32, #tpu.memory_space<vmem>>
      %dma_wait3A_499 = arith.constant 0 : i32
      %dma_wait3A_500 = tpu.memref_slice %arg5[%add3A_493, %dma_wait3A_499] : memref<64x80xi32, #tpu.memory_space<vmem>> -> memref<1x80xi32, #tpu.memory_space<vmem>>
      %dma_wait3A_501 = tpu.memref_squeeze %dma_wait3A_500 : memref<1x80xi32, #tpu.memory_space<vmem>> -> memref<80xi32, #tpu.memory_space<vmem>>
      %dma_wait3A_502 = arith.constant 0 : i32
      %dma_wait3A_503 = arith.constant 0 : i32
      %dma_wait3A_504 = tpu.memref_slice %arg2[%dma_wait3A_502, %dma_wait3A_503] : memref<10000x128xf32, #tpu.memory_space<hbm>> -> memref<10000x128xf32, #tpu.memory_space<hbm>>
      tpu.wait_indirect_dma semaphore(%arg10 : memref<!tpu.dma_semaphore, #tpu.memory_space<semaphore_mem>>) src(%dma_wait3A_504 : memref<10000x128xf32, #tpu.memory_space<hbm>>) dst(%dma_wait3A_498 : memref<80x128xf32, #tpu.memory_space<vmem>>)
      %dma_start3A_505 = arith.constant 1 : i32
      %dma_start3A_506 = arith.constant 0 : i32
      %dma_start3A_507 = arith.constant 0 : i32
      %dma_start3A_508 = tpu.memref_slice %arg7[%dma_start3A_505, %dma_start3A_506, %dma_start3A_507] : memref<3x80x128xf32, #tpu.memory_space<vmem>> -> memref<1x80x128xf32, #tpu.memory_space<vmem>>
      %dma_start3A_509 = tpu.memref_squeeze %dma_start3A_508 : memref<1x80x128xf32, #tpu.memory_space<vmem>> -> memref<80x128xf32, #tpu.memory_space<vmem>>
      %dma_start3A_510 = arith.constant 0 : i32
      %dma_start3A_511 = tpu.memref_slice %arg6[%add3A_493, %dma_start3A_510] : memref<64x80xi32, #tpu.memory_space<vmem>> -> memref<1x80xi32, #tpu.memory_space<vmem>>
      %dma_start3A_512 = tpu.memref_squeeze %dma_start3A_511 : memref<1x80xi32, #tpu.memory_space<vmem>> -> memref<80xi32, #tpu.memory_space<vmem>>
      %dma_start3A_513 = arith.constant 0 : i32
      %dma_start3A_514 = arith.constant 0 : i32
      %dma_start3A_515 = tpu.memref_slice %arg8[%dma_start3A_513, %dma_start3A_514] : memref<10112x128xf32, #tpu.memory_space<vmem_shared>> -> memref<10112x128xf32, #tpu.memory_space<vmem_shared>>
      tpu.enqueue_indirect_dma source(%dma_start3A_509 : memref<80x128xf32, #tpu.memory_space<vmem>>) target(%dma_start3A_515 : memref<10112x128xf32, #tpu.memory_space<vmem_shared>>) offsets(%dma_start3A_512 : memref<80xi32, #tpu.memory_space<vmem>>) semaphore(%arg13 : memref<!tpu.dma_semaphore, #tpu.memory_space<semaphore_mem>>) {add = true}
      %dma_wait3A_516 = arith.constant 1 : i32
      %dma_wait3A_517 = arith.constant 0 : i32
      %dma_wait3A_518 = arith.constant 0 : i32
      %dma_wait3A_519 = tpu.memref_slice %arg7[%dma_wait3A_516, %dma_wait3A_517, %dma_wait3A_518] : memref<3x80x128xf32, #tpu.memory_space<vmem>> -> memref<1x80x128xf32, #tpu.memory_space<vmem>>
      %dma_wait3A_520 = tpu.memref_squeeze %dma_wait3A_519 : memref<1x80x128xf32, #tpu.memory_space<vmem>> -> memref<80x128xf32, #tpu.memory_space<vmem>>
      %dma_wait3A_521 = arith.constant 0 : i32
      %dma_wait3A_522 = tpu.memref_slice %arg6[%add3A_493, %dma_wait3A_521] : memref<64x80xi32, #tpu.memory_space<vmem>> -> memref<1x80xi32, #tpu.memory_space<vmem>>
      %dma_wait3A_523 = tpu.memref_squeeze %dma_wait3A_522 : memref<1x80xi32, #tpu.memory_space<vmem>> -> memref<80xi32, #tpu.memory_space<vmem>>
      %dma_wait3A_524 = arith.constant 0 : i32
      %dma_wait3A_525 = arith.constant 0 : i32
      %dma_wait3A_526 = tpu.memref_slice %arg8[%dma_wait3A_524, %dma_wait3A_525] : memref<10112x128xf32, #tpu.memory_space<vmem_shared>> -> memref<10112x128xf32, #tpu.memory_space<vmem_shared>>
      tpu.wait_indirect_dma semaphore(%arg13 : memref<!tpu.dma_semaphore, #tpu.memory_space<semaphore_mem>>) src(%dma_wait3A_520 : memref<80x128xf32, #tpu.memory_space<vmem>>) dst(%dma_wait3A_526 : memref<10112x128xf32, #tpu.memory_space<vmem_shared>>)
      %add3A_527 = arith.constant 3 : i32
      %add3A_528 = arith.addi %add3A_493, %add3A_527 : i32
      %dma_start3A_529 = arith.constant 1 : i32
      %dma_start3A_530 = arith.constant 0 : i32
      %dma_start3A_531 = arith.constant 0 : i32
      %dma_start3A_532 = tpu.memref_slice %arg7[%dma_start3A_529, %dma_start3A_530, %dma_start3A_531] : memref<3x80x128xf32, #tpu.memory_space<vmem>> -> memref<1x80x128xf32, #tpu.memory_space<vmem>>
      %dma_start3A_533 = tpu.memref_squeeze %dma_start3A_532 : memref<1x80x128xf32, #tpu.memory_space<vmem>> -> memref<80x128xf32, #tpu.memory_space<vmem>>
      %dma_start3A_534 = arith.constant 0 : i32
      %dma_start3A_535 = tpu.memref_slice %arg5[%add3A_528, %dma_start3A_534] : memref<64x80xi32, #tpu.memory_space<vmem>> -> memref<1x80xi32, #tpu.memory_space<vmem>>
      %dma_start3A_536 = tpu.memref_squeeze %dma_start3A_535 : memref<1x80xi32, #tpu.memory_space<vmem>> -> memref<80xi32, #tpu.memory_space<vmem>>
      %dma_start3A_537 = arith.constant 0 : i32
      %dma_start3A_538 = arith.constant 0 : i32
      %dma_start3A_539 = tpu.memref_slice %arg2[%dma_start3A_537, %dma_start3A_538] : memref<10000x128xf32, #tpu.memory_space<hbm>> -> memref<10000x128xf32, #tpu.memory_space<hbm>>
      tpu.enqueue_indirect_dma source(%dma_start3A_539 : memref<10000x128xf32, #tpu.memory_space<hbm>>) target(%dma_start3A_533 : memref<80x128xf32, #tpu.memory_space<vmem>>) offsets(%dma_start3A_536 : memref<80xi32, #tpu.memory_space<vmem>>) semaphore(%arg10 : memref<!tpu.dma_semaphore, #tpu.memory_space<semaphore_mem>>)
      %mul3A_540 = arith.constant 3 : i32
      %mul3A_541 = arith.muli %scan3A_438, %mul3A_540 : i32
      %add3A_542 = arith.constant 2 : i32
      %add3A_543 = arith.addi %mul3A_541, %add3A_542 : i32
      %dma_wait3A_544 = arith.constant 2 : i32
      %dma_wait3A_545 = arith.constant 0 : i32
      %dma_wait3A_546 = arith.constant 0 : i32
      %dma_wait3A_547 = tpu.memref_slice %arg7[%dma_wait3A_544, %dma_wait3A_545, %dma_wait3A_546] : memref<3x80x128xf32, #tpu.memory_space<vmem>> -> memref<1x80x128xf32, #tpu.memory_space<vmem>>
      %dma_wait3A_548 = tpu.memref_squeeze %dma_wait3A_547 : memref<1x80x128xf32, #tpu.memory_space<vmem>> -> memref<80x128xf32, #tpu.memory_space<vmem>>
      %dma_wait3A_549 = arith.constant 0 : i32
      %dma_wait3A_550 = tpu.memref_slice %arg5[%add3A_543, %dma_wait3A_549] : memref<64x80xi32, #tpu.memory_space<vmem>> -> memref<1x80xi32, #tpu.memory_space<vmem>>
      %dma_wait3A_551 = tpu.memref_squeeze %dma_wait3A_550 : memref<1x80xi32, #tpu.memory_space<vmem>> -> memref<80xi32, #tpu.memory_space<vmem>>
      %dma_wait3A_552 = arith.constant 0 : i32
      %dma_wait3A_553 = arith.constant 0 : i32
      %dma_wait3A_554 = tpu.memref_slice %arg2[%dma_wait3A_552, %dma_wait3A_553] : memref<10000x128xf32, #tpu.memory_space<hbm>> -> memref<10000x128xf32, #tpu.memory_space<hbm>>
      tpu.wait_indirect_dma semaphore(%arg11 : memref<!tpu.dma_semaphore, #tpu.memory_space<semaphore_mem>>) src(%dma_wait3A_554 : memref<10000x128xf32, #tpu.memory_space<hbm>>) dst(%dma_wait3A_548 : memref<80x128xf32, #tpu.memory_space<vmem>>)
      %dma_start3A_555 = arith.constant 2 : i32
      %dma_start3A_556 = arith.constant 0 : i32
      %dma_start3A_557 = arith.constant 0 : i32
      %dma_start3A_558 = tpu.memref_slice %arg7[%dma_start3A_555, %dma_start3A_556, %dma_start3A_557] : memref<3x80x128xf32, #tpu.memory_space<vmem>> -> memref<1x80x128xf32, #tpu.memory_space<vmem>>
      %dma_start3A_559 = tpu.memref_squeeze %dma_start3A_558 : memref<1x80x128xf32, #tpu.memory_space<vmem>> -> memref<80x128xf32, #tpu.memory_space<vmem>>
      %dma_start3A_560 = arith.constant 0 : i32
      %dma_start3A_561 = tpu.memref_slice %arg6[%add3A_543, %dma_start3A_560] : memref<64x80xi32, #tpu.memory_space<vmem>> -> memref<1x80xi32, #tpu.memory_space<vmem>>
      %dma_start3A_562 = tpu.memref_squeeze %dma_start3A_561 : memref<1x80xi32, #tpu.memory_space<vmem>> -> memref<80xi32, #tpu.memory_space<vmem>>
      %dma_start3A_563 = arith.constant 0 : i32
      %dma_start3A_564 = arith.constant 0 : i32
      %dma_start3A_565 = tpu.memref_slice %arg8[%dma_start3A_563, %dma_start3A_564] : memref<10112x128xf32, #tpu.memory_space<vmem_shared>> -> memref<10112x128xf32, #tpu.memory_space<vmem_shared>>
      tpu.enqueue_indirect_dma source(%dma_start3A_559 : memref<80x128xf32, #tpu.memory_space<vmem>>) target(%dma_start3A_565 : memref<10112x128xf32, #tpu.memory_space<vmem_shared>>) offsets(%dma_start3A_562 : memref<80xi32, #tpu.memory_space<vmem>>) semaphore(%arg14 : memref<!tpu.dma_semaphore, #tpu.memory_space<semaphore_mem>>) {add = true}
      %dma_wait3A_566 = arith.constant 2 : i32
      %dma_wait3A_567 = arith.constant 0 : i32
      %dma_wait3A_568 = arith.constant 0 : i32
      %dma_wait3A_569 = tpu.memref_slice %arg7[%dma_wait3A_566, %dma_wait3A_567, %dma_wait3A_568] : memref<3x80x128xf32, #tpu.memory_space<vmem>> -> memref<1x80x128xf32, #tpu.memory_space<vmem>>
      %dma_wait3A_570 = tpu.memref_squeeze %dma_wait3A_569 : memref<1x80x128xf32, #tpu.memory_space<vmem>> -> memref<80x128xf32, #tpu.memory_space<vmem>>
      %dma_wait3A_571 = arith.constant 0 : i32
      %dma_wait3A_572 = tpu.memref_slice %arg6[%add3A_543, %dma_wait3A_571] : memref<64x80xi32, #tpu.memory_space<vmem>> -> memref<1x80xi32, #tpu.memory_space<vmem>>
      %dma_wait3A_573 = tpu.memref_squeeze %dma_wait3A_572 : memref<1x80xi32, #tpu.memory_space<vmem>> -> memref<80xi32, #tpu.memory_space<vmem>>
      %dma_wait3A_574 = arith.constant 0 : i32
      %dma_wait3A_575 = arith.constant 0 : i32
      %dma_wait3A_576 = tpu.memref_slice %arg8[%dma_wait3A_574, %dma_wait3A_575] : memref<10112x128xf32, #tpu.memory_space<vmem_shared>> -> memref<10112x128xf32, #tpu.memory_space<vmem_shared>>
      tpu.wait_indirect_dma semaphore(%arg14 : memref<!tpu.dma_semaphore, #tpu.memory_space<semaphore_mem>>) src(%dma_wait3A_570 : memref<80x128xf32, #tpu.memory_space<vmem>>) dst(%dma_wait3A_576 : memref<10112x128xf32, #tpu.memory_space<vmem_shared>>)
      %add3A_577 = arith.constant 3 : i32
      %add3A_578 = arith.addi %add3A_543, %add3A_577 : i32
      %dma_start3A_579 = arith.constant 2 : i32
      %dma_start3A_580 = arith.constant 0 : i32
      %dma_start3A_581 = arith.constant 0 : i32
      %dma_start3A_582 = tpu.memref_slice %arg7[%dma_start3A_579, %dma_start3A_580, %dma_start3A_581] : memref<3x80x128xf32, #tpu.memory_space<vmem>> -> memref<1x80x128xf32, #tpu.memory_space<vmem>>
      %dma_start3A_583 = tpu.memref_squeeze %dma_start3A_582 : memref<1x80x128xf32, #tpu.memory_space<vmem>> -> memref<80x128xf32, #tpu.memory_space<vmem>>
      %dma_start3A_584 = arith.constant 0 : i32
      %dma_start3A_585 = tpu.memref_slice %arg5[%add3A_578, %dma_start3A_584] : memref<64x80xi32, #tpu.memory_space<vmem>> -> memref<1x80xi32, #tpu.memory_space<vmem>>
      %dma_start3A_586 = tpu.memref_squeeze %dma_start3A_585 : memref<1x80xi32, #tpu.memory_space<vmem>> -> memref<80xi32, #tpu.memory_space<vmem>>
      %dma_start3A_587 = arith.constant 0 : i32
      %dma_start3A_588 = arith.constant 0 : i32
      %dma_start3A_589 = tpu.memref_slice %arg2[%dma_start3A_587, %dma_start3A_588] : memref<10000x128xf32, #tpu.memory_space<hbm>> -> memref<10000x128xf32, #tpu.memory_space<hbm>>
      tpu.enqueue_indirect_dma source(%dma_start3A_589 : memref<10000x128xf32, #tpu.memory_space<hbm>>) target(%dma_start3A_583 : memref<80x128xf32, #tpu.memory_space<vmem>>) offsets(%dma_start3A_586 : memref<80xi32, #tpu.memory_space<vmem>>) semaphore(%arg11 : memref<!tpu.dma_semaphore, #tpu.memory_space<semaphore_mem>>)
      %scan3A_590 = arith.constant 0 : i32
      scf.yield %scan3A_590 : i32
    }
    %scan3A_76 = arith.constant 20 : i32
    %dma_wait3A = arith.constant 60 : i32
    %dma_wait3A_77 = arith.constant 0 : i32
    %dma_wait3A_78 = arith.constant 0 : i32
    %dma_wait3A_79 = arith.constant 0 : i32
    %dma_wait3A_80 = tpu.memref_slice %arg7[%dma_wait3A_77, %dma_wait3A_78, %dma_wait3A_79] : memref<3x80x128xf32, #tpu.memory_space<vmem>> -> memref<1x80x128xf32, #tpu.memory_space<vmem>>
    %dma_wait3A_81 = tpu.memref_squeeze %dma_wait3A_80 : memref<1x80x128xf32, #tpu.memory_space<vmem>> -> memref<80x128xf32, #tpu.memory_space<vmem>>
    %dma_wait3A_82 = arith.constant 0 : i32
    %dma_wait3A_83 = tpu.memref_slice %arg5[%dma_wait3A, %dma_wait3A_82] : memref<64x80xi32, #tpu.memory_space<vmem>> -> memref<1x80xi32, #tpu.memory_space<vmem>>
    %dma_wait3A_84 = tpu.memref_squeeze %dma_wait3A_83 : memref<1x80xi32, #tpu.memory_space<vmem>> -> memref<80xi32, #tpu.memory_space<vmem>>
    %dma_wait3A_85 = arith.constant 0 : i32
    %dma_wait3A_86 = arith.constant 0 : i32
    %dma_wait3A_87 = tpu.memref_slice %arg2[%dma_wait3A_85, %dma_wait3A_86] : memref<10000x128xf32, #tpu.memory_space<hbm>> -> memref<10000x128xf32, #tpu.memory_space<hbm>>
    tpu.wait_indirect_dma semaphore(%arg9 : memref<!tpu.dma_semaphore, #tpu.memory_space<semaphore_mem>>) src(%dma_wait3A_87 : memref<10000x128xf32, #tpu.memory_space<hbm>>) dst(%dma_wait3A_81 : memref<80x128xf32, #tpu.memory_space<vmem>>)
    %dma_start3A_88 = arith.constant 0 : i32
    %dma_start3A_89 = arith.constant 60 : i32
    %dma_start3A_90 = arith.constant 0 : i32
    %dma_start3A_91 = arith.constant 0 : i32
    %dma_start3A_92 = tpu.memref_slice %arg7[%dma_start3A_88, %dma_start3A_90, %dma_start3A_91] : memref<3x80x128xf32, #tpu.memory_space<vmem>> -> memref<1x80x128xf32, #tpu.memory_space<vmem>>
    %dma_start3A_93 = tpu.memref_squeeze %dma_start3A_92 : memref<1x80x128xf32, #tpu.memory_space<vmem>> -> memref<80x128xf32, #tpu.memory_space<vmem>>
    %dma_start3A_94 = arith.constant 0 : i32
    %dma_start3A_95 = tpu.memref_slice %arg6[%dma_start3A_89, %dma_start3A_94] : memref<64x80xi32, #tpu.memory_space<vmem>> -> memref<1x80xi32, #tpu.memory_space<vmem>>
    %dma_start3A_96 = tpu.memref_squeeze %dma_start3A_95 : memref<1x80xi32, #tpu.memory_space<vmem>> -> memref<80xi32, #tpu.memory_space<vmem>>
    %dma_start3A_97 = arith.constant 0 : i32
    %dma_start3A_98 = arith.constant 0 : i32
    %dma_start3A_99 = tpu.memref_slice %arg8[%dma_start3A_97, %dma_start3A_98] : memref<10112x128xf32, #tpu.memory_space<vmem_shared>> -> memref<10112x128xf32, #tpu.memory_space<vmem_shared>>
    tpu.enqueue_indirect_dma source(%dma_start3A_93 : memref<80x128xf32, #tpu.memory_space<vmem>>) target(%dma_start3A_99 : memref<10112x128xf32, #tpu.memory_space<vmem_shared>>) offsets(%dma_start3A_96 : memref<80xi32, #tpu.memory_space<vmem>>) semaphore(%arg12 : memref<!tpu.dma_semaphore, #tpu.memory_space<semaphore_mem>>) {add = true}
    %dma_wait3A_100 = arith.constant 0 : i32
    %dma_wait3A_101 = arith.constant 60 : i32
    %dma_wait3A_102 = arith.constant 0 : i32
    %dma_wait3A_103 = arith.constant 0 : i32
    %dma_wait3A_104 = tpu.memref_slice %arg7[%dma_wait3A_100, %dma_wait3A_102, %dma_wait3A_103] : memref<3x80x128xf32, #tpu.memory_space<vmem>> -> memref<1x80x128xf32, #tpu.memory_space<vmem>>
    %dma_wait3A_105 = tpu.memref_squeeze %dma_wait3A_104 : memref<1x80x128xf32, #tpu.memory_space<vmem>> -> memref<80x128xf32, #tpu.memory_space<vmem>>
    %dma_wait3A_106 = arith.constant 0 : i32
    %dma_wait3A_107 = tpu.memref_slice %arg6[%dma_wait3A_101, %dma_wait3A_106] : memref<64x80xi32, #tpu.memory_space<vmem>> -> memref<1x80xi32, #tpu.memory_space<vmem>>
    %dma_wait3A_108 = tpu.memref_squeeze %dma_wait3A_107 : memref<1x80xi32, #tpu.memory_space<vmem>> -> memref<80xi32, #tpu.memory_space<vmem>>
    %dma_wait3A_109 = arith.constant 0 : i32
    %dma_wait3A_110 = arith.constant 0 : i32
    %dma_wait3A_111 = tpu.memref_slice %arg8[%dma_wait3A_109, %dma_wait3A_110] : memref<10112x128xf32, #tpu.memory_space<vmem_shared>> -> memref<10112x128xf32, #tpu.memory_space<vmem_shared>>
    tpu.wait_indirect_dma semaphore(%arg12 : memref<!tpu.dma_semaphore, #tpu.memory_space<semaphore_mem>>) src(%dma_wait3A_105 : memref<80x128xf32, #tpu.memory_space<vmem>>) dst(%dma_wait3A_111 : memref<10112x128xf32, #tpu.memory_space<vmem_shared>>)
    %dma_start3A_112 = arith.constant 63 : i32
    %dma_start3A_113 = arith.constant 0 : i32
    %dma_start3A_114 = arith.constant 0 : i32
    %dma_start3A_115 = arith.constant 0 : i32
    %dma_start3A_116 = tpu.memref_slice %arg7[%dma_start3A_113, %dma_start3A_114, %dma_start3A_115] : memref<3x80x128xf32, #tpu.memory_space<vmem>> -> memref<1x80x128xf32, #tpu.memory_space<vmem>>
    %dma_start3A_117 = tpu.memref_squeeze %dma_start3A_116 : memref<1x80x128xf32, #tpu.memory_space<vmem>> -> memref<80x128xf32, #tpu.memory_space<vmem>>
    %dma_start3A_118 = arith.constant 0 : i32
    %dma_start3A_119 = tpu.memref_slice %arg5[%dma_start3A_112, %dma_start3A_118] : memref<64x80xi32, #tpu.memory_space<vmem>> -> memref<1x80xi32, #tpu.memory_space<vmem>>
    %dma_start3A_120 = tpu.memref_squeeze %dma_start3A_119 : memref<1x80xi32, #tpu.memory_space<vmem>> -> memref<80xi32, #tpu.memory_space<vmem>>
    %dma_start3A_121 = arith.constant 0 : i32
    %dma_start3A_122 = arith.constant 0 : i32
    %dma_start3A_123 = tpu.memref_slice %arg2[%dma_start3A_121, %dma_start3A_122] : memref<10000x128xf32, #tpu.memory_space<hbm>> -> memref<10000x128xf32, #tpu.memory_space<hbm>>
    tpu.enqueue_indirect_dma source(%dma_start3A_123 : memref<10000x128xf32, #tpu.memory_space<hbm>>) target(%dma_start3A_117 : memref<80x128xf32, #tpu.memory_space<vmem>>) offsets(%dma_start3A_120 : memref<80xi32, #tpu.memory_space<vmem>>) semaphore(%arg9 : memref<!tpu.dma_semaphore, #tpu.memory_space<semaphore_mem>>)
    %dma_wait3A_124 = arith.constant 61 : i32
    %dma_wait3A_125 = arith.constant 1 : i32
    %dma_wait3A_126 = arith.constant 0 : i32
    %dma_wait3A_127 = arith.constant 0 : i32
    %dma_wait3A_128 = tpu.memref_slice %arg7[%dma_wait3A_125, %dma_wait3A_126, %dma_wait3A_127] : memref<3x80x128xf32, #tpu.memory_space<vmem>> -> memref<1x80x128xf32, #tpu.memory_space<vmem>>
    %dma_wait3A_129 = tpu.memref_squeeze %dma_wait3A_128 : memref<1x80x128xf32, #tpu.memory_space<vmem>> -> memref<80x128xf32, #tpu.memory_space<vmem>>
    %dma_wait3A_130 = arith.constant 0 : i32
    %dma_wait3A_131 = tpu.memref_slice %arg5[%dma_wait3A_124, %dma_wait3A_130] : memref<64x80xi32, #tpu.memory_space<vmem>> -> memref<1x80xi32, #tpu.memory_space<vmem>>
    %dma_wait3A_132 = tpu.memref_squeeze %dma_wait3A_131 : memref<1x80xi32, #tpu.memory_space<vmem>> -> memref<80xi32, #tpu.memory_space<vmem>>
    %dma_wait3A_133 = arith.constant 0 : i32
    %dma_wait3A_134 = arith.constant 0 : i32
    %dma_wait3A_135 = tpu.memref_slice %arg2[%dma_wait3A_133, %dma_wait3A_134] : memref<10000x128xf32, #tpu.memory_space<hbm>> -> memref<10000x128xf32, #tpu.memory_space<hbm>>
    tpu.wait_indirect_dma semaphore(%arg10 : memref<!tpu.dma_semaphore, #tpu.memory_space<semaphore_mem>>) src(%dma_wait3A_135 : memref<10000x128xf32, #tpu.memory_space<hbm>>) dst(%dma_wait3A_129 : memref<80x128xf32, #tpu.memory_space<vmem>>)
    %dma_start3A_136 = arith.constant 1 : i32
    %dma_start3A_137 = arith.constant 61 : i32
    %dma_start3A_138 = arith.constant 0 : i32
    %dma_start3A_139 = arith.constant 0 : i32
    %dma_start3A_140 = tpu.memref_slice %arg7[%dma_start3A_136, %dma_start3A_138, %dma_start3A_139] : memref<3x80x128xf32, #tpu.memory_space<vmem>> -> memref<1x80x128xf32, #tpu.memory_space<vmem>>
    %dma_start3A_141 = tpu.memref_squeeze %dma_start3A_140 : memref<1x80x128xf32, #tpu.memory_space<vmem>> -> memref<80x128xf32, #tpu.memory_space<vmem>>
    %dma_start3A_142 = arith.constant 0 : i32
    %dma_start3A_143 = tpu.memref_slice %arg6[%dma_start3A_137, %dma_start3A_142] : memref<64x80xi32, #tpu.memory_space<vmem>> -> memref<1x80xi32, #tpu.memory_space<vmem>>
    %dma_start3A_144 = tpu.memref_squeeze %dma_start3A_143 : memref<1x80xi32, #tpu.memory_space<vmem>> -> memref<80xi32, #tpu.memory_space<vmem>>
    %dma_start3A_145 = arith.constant 0 : i32
    %dma_start3A_146 = arith.constant 0 : i32
    %dma_start3A_147 = tpu.memref_slice %arg8[%dma_start3A_145, %dma_start3A_146] : memref<10112x128xf32, #tpu.memory_space<vmem_shared>> -> memref<10112x128xf32, #tpu.memory_space<vmem_shared>>
    tpu.enqueue_indirect_dma source(%dma_start3A_141 : memref<80x128xf32, #tpu.memory_space<vmem>>) target(%dma_start3A_147 : memref<10112x128xf32, #tpu.memory_space<vmem_shared>>) offsets(%dma_start3A_144 : memref<80xi32, #tpu.memory_space<vmem>>) semaphore(%arg13 : memref<!tpu.dma_semaphore, #tpu.memory_space<semaphore_mem>>) {add = true}
    %dma_wait3A_148 = arith.constant 1 : i32
    %dma_wait3A_149 = arith.constant 61 : i32
    %dma_wait3A_150 = arith.constant 0 : i32
    %dma_wait3A_151 = arith.constant 0 : i32
    %dma_wait3A_152 = tpu.memref_slice %arg7[%dma_wait3A_148, %dma_wait3A_150, %dma_wait3A_151] : memref<3x80x128xf32, #tpu.memory_space<vmem>> -> memref<1x80x128xf32, #tpu.memory_space<vmem>>
    %dma_wait3A_153 = tpu.memref_squeeze %dma_wait3A_152 : memref<1x80x128xf32, #tpu.memory_space<vmem>> -> memref<80x128xf32, #tpu.memory_space<vmem>>
    %dma_wait3A_154 = arith.constant 0 : i32
    %dma_wait3A_155 = tpu.memref_slice %arg6[%dma_wait3A_149, %dma_wait3A_154] : memref<64x80xi32, #tpu.memory_space<vmem>> -> memref<1x80xi32, #tpu.memory_space<vmem>>
    %dma_wait3A_156 = tpu.memref_squeeze %dma_wait3A_155 : memref<1x80xi32, #tpu.memory_space<vmem>> -> memref<80xi32, #tpu.memory_space<vmem>>
    %dma_wait3A_157 = arith.constant 0 : i32
    %dma_wait3A_158 = arith.constant 0 : i32
    %dma_wait3A_159 = tpu.memref_slice %arg8[%dma_wait3A_157, %dma_wait3A_158] : memref<10112x128xf32, #tpu.memory_space<vmem_shared>> -> memref<10112x128xf32, #tpu.memory_space<vmem_shared>>
    tpu.wait_indirect_dma semaphore(%arg13 : memref<!tpu.dma_semaphore, #tpu.memory_space<semaphore_mem>>) src(%dma_wait3A_153 : memref<80x128xf32, #tpu.memory_space<vmem>>) dst(%dma_wait3A_159 : memref<10112x128xf32, #tpu.memory_space<vmem_shared>>)
    %dma_wait3A_160 = arith.constant 62 : i32
    %dma_wait3A_161 = arith.constant 2 : i32
    %dma_wait3A_162 = arith.constant 0 : i32
    %dma_wait3A_163 = arith.constant 0 : i32
    %dma_wait3A_164 = tpu.memref_slice %arg7[%dma_wait3A_161, %dma_wait3A_162, %dma_wait3A_163] : memref<3x80x128xf32, #tpu.memory_space<vmem>> -> memref<1x80x128xf32, #tpu.memory_space<vmem>>
    %dma_wait3A_165 = tpu.memref_squeeze %dma_wait3A_164 : memref<1x80x128xf32, #tpu.memory_space<vmem>> -> memref<80x128xf32, #tpu.memory_space<vmem>>
    %dma_wait3A_166 = arith.constant 0 : i32
    %dma_wait3A_167 = tpu.memref_slice %arg5[%dma_wait3A_160, %dma_wait3A_166] : memref<64x80xi32, #tpu.memory_space<vmem>> -> memref<1x80xi32, #tpu.memory_space<vmem>>
    %dma_wait3A_168 = tpu.memref_squeeze %dma_wait3A_167 : memref<1x80xi32, #tpu.memory_space<vmem>> -> memref<80xi32, #tpu.memory_space<vmem>>
    %dma_wait3A_169 = arith.constant 0 : i32
    %dma_wait3A_170 = arith.constant 0 : i32
    %dma_wait3A_171 = tpu.memref_slice %arg2[%dma_wait3A_169, %dma_wait3A_170] : memref<10000x128xf32, #tpu.memory_space<hbm>> -> memref<10000x128xf32, #tpu.memory_space<hbm>>
    tpu.wait_indirect_dma semaphore(%arg11 : memref<!tpu.dma_semaphore, #tpu.memory_space<semaphore_mem>>) src(%dma_wait3A_171 : memref<10000x128xf32, #tpu.memory_space<hbm>>) dst(%dma_wait3A_165 : memref<80x128xf32, #tpu.memory_space<vmem>>)
    %dma_start3A_172 = arith.constant 2 : i32
    %dma_start3A_173 = arith.constant 62 : i32
    %dma_start3A_174 = arith.constant 0 : i32
    %dma_start3A_175 = arith.constant 0 : i32
    %dma_start3A_176 = tpu.memref_slice %arg7[%dma_start3A_172, %dma_start3A_174, %dma_start3A_175] : memref<3x80x128xf32, #tpu.memory_space<vmem>> -> memref<1x80x128xf32, #tpu.memory_space<vmem>>
    %dma_start3A_177 = tpu.memref_squeeze %dma_start3A_176 : memref<1x80x128xf32, #tpu.memory_space<vmem>> -> memref<80x128xf32, #tpu.memory_space<vmem>>
    %dma_start3A_178 = arith.constant 0 : i32
    %dma_start3A_179 = tpu.memref_slice %arg6[%dma_start3A_173, %dma_start3A_178] : memref<64x80xi32, #tpu.memory_space<vmem>> -> memref<1x80xi32, #tpu.memory_space<vmem>>
    %dma_start3A_180 = tpu.memref_squeeze %dma_start3A_179 : memref<1x80xi32, #tpu.memory_space<vmem>> -> memref<80xi32, #tpu.memory_space<vmem>>
    %dma_start3A_181 = arith.constant 0 : i32
    %dma_start3A_182 = arith.constant 0 : i32
    %dma_start3A_183 = tpu.memref_slice %arg8[%dma_start3A_181, %dma_start3A_182] : memref<10112x128xf32, #tpu.memory_space<vmem_shared>> -> memref<10112x128xf32, #tpu.memory_space<vmem_shared>>
    tpu.enqueue_indirect_dma source(%dma_start3A_177 : memref<80x128xf32, #tpu.memory_space<vmem>>) target(%dma_start3A_183 : memref<10112x128xf32, #tpu.memory_space<vmem_shared>>) offsets(%dma_start3A_180 : memref<80xi32, #tpu.memory_space<vmem>>) semaphore(%arg14 : memref<!tpu.dma_semaphore, #tpu.memory_space<semaphore_mem>>) {add = true}
    %dma_wait3A_184 = arith.constant 2 : i32
    %dma_wait3A_185 = arith.constant 62 : i32
    %dma_wait3A_186 = arith.constant 0 : i32
    %dma_wait3A_187 = arith.constant 0 : i32
    %dma_wait3A_188 = tpu.memref_slice %arg7[%dma_wait3A_184, %dma_wait3A_186, %dma_wait3A_187] : memref<3x80x128xf32, #tpu.memory_space<vmem>> -> memref<1x80x128xf32, #tpu.memory_space<vmem>>
    %dma_wait3A_189 = tpu.memref_squeeze %dma_wait3A_188 : memref<1x80x128xf32, #tpu.memory_space<vmem>> -> memref<80x128xf32, #tpu.memory_space<vmem>>
    %dma_wait3A_190 = arith.constant 0 : i32
    %dma_wait3A_191 = tpu.memref_slice %arg6[%dma_wait3A_185, %dma_wait3A_190] : memref<64x80xi32, #tpu.memory_space<vmem>> -> memref<1x80xi32, #tpu.memory_space<vmem>>
    %dma_wait3A_192 = tpu.memref_squeeze %dma_wait3A_191 : memref<1x80xi32, #tpu.memory_space<vmem>> -> memref<80xi32, #tpu.memory_space<vmem>>
    %dma_wait3A_193 = arith.constant 0 : i32
    %dma_wait3A_194 = arith.constant 0 : i32
    %dma_wait3A_195 = tpu.memref_slice %arg8[%dma_wait3A_193, %dma_wait3A_194] : memref<10112x128xf32, #tpu.memory_space<vmem_shared>> -> memref<10112x128xf32, #tpu.memory_space<vmem_shared>>
    tpu.wait_indirect_dma semaphore(%arg14 : memref<!tpu.dma_semaphore, #tpu.memory_space<semaphore_mem>>) src(%dma_wait3A_189 : memref<80x128xf32, #tpu.memory_space<vmem>>) dst(%dma_wait3A_195 : memref<10112x128xf32, #tpu.memory_space<vmem_shared>>)
    %dma_wait3A_196 = arith.constant 63 : i32
    %dma_wait3A_197 = arith.constant 0 : i32
    %dma_wait3A_198 = arith.constant 0 : i32
    %dma_wait3A_199 = arith.constant 0 : i32
    %dma_wait3A_200 = tpu.memref_slice %arg7[%dma_wait3A_197, %dma_wait3A_198, %dma_wait3A_199] : memref<3x80x128xf32, #tpu.memory_space<vmem>> -> memref<1x80x128xf32, #tpu.memory_space<vmem>>
    %dma_wait3A_201 = tpu.memref_squeeze %dma_wait3A_200 : memref<1x80x128xf32, #tpu.memory_space<vmem>> -> memref<80x128xf32, #tpu.memory_space<vmem>>
    %dma_wait3A_202 = arith.constant 0 : i32
    %dma_wait3A_203 = tpu.memref_slice %arg5[%dma_wait3A_196, %dma_wait3A_202] : memref<64x80xi32, #tpu.memory_space<vmem>> -> memref<1x80xi32, #tpu.memory_space<vmem>>
    %dma_wait3A_204 = tpu.memref_squeeze %dma_wait3A_203 : memref<1x80xi32, #tpu.memory_space<vmem>> -> memref<80xi32, #tpu.memory_space<vmem>>
    %dma_wait3A_205 = arith.constant 0 : i32
    %dma_wait3A_206 = arith.constant 0 : i32
    %dma_wait3A_207 = tpu.memref_slice %arg2[%dma_wait3A_205, %dma_wait3A_206] : memref<10000x128xf32, #tpu.memory_space<hbm>> -> memref<10000x128xf32, #tpu.memory_space<hbm>>
    tpu.wait_indirect_dma semaphore(%arg9 : memref<!tpu.dma_semaphore, #tpu.memory_space<semaphore_mem>>) src(%dma_wait3A_207 : memref<10000x128xf32, #tpu.memory_space<hbm>>) dst(%dma_wait3A_201 : memref<80x128xf32, #tpu.memory_space<vmem>>)
    %dma_start3A_208 = arith.constant 0 : i32
    %dma_start3A_209 = arith.constant 63 : i32
    %dma_start3A_210 = arith.constant 0 : i32
    %dma_start3A_211 = arith.constant 0 : i32
    %dma_start3A_212 = tpu.memref_slice %arg7[%dma_start3A_208, %dma_start3A_210, %dma_start3A_211] : memref<3x80x128xf32, #tpu.memory_space<vmem>> -> memref<1x80x128xf32, #tpu.memory_space<vmem>>
    %dma_start3A_213 = tpu.memref_squeeze %dma_start3A_212 : memref<1x80x128xf32, #tpu.memory_space<vmem>> -> memref<80x128xf32, #tpu.memory_space<vmem>>
    %dma_start3A_214 = arith.constant 0 : i32
    %dma_start3A_215 = tpu.memref_slice %arg6[%dma_start3A_209, %dma_start3A_214] : memref<64x80xi32, #tpu.memory_space<vmem>> -> memref<1x80xi32, #tpu.memory_space<vmem>>
    %dma_start3A_216 = tpu.memref_squeeze %dma_start3A_215 : memref<1x80xi32, #tpu.memory_space<vmem>> -> memref<80xi32, #tpu.memory_space<vmem>>
    %dma_start3A_217 = arith.constant 0 : i32
    %dma_start3A_218 = arith.constant 0 : i32
    %dma_start3A_219 = tpu.memref_slice %arg8[%dma_start3A_217, %dma_start3A_218] : memref<10112x128xf32, #tpu.memory_space<vmem_shared>> -> memref<10112x128xf32, #tpu.memory_space<vmem_shared>>
    tpu.enqueue_indirect_dma source(%dma_start3A_213 : memref<80x128xf32, #tpu.memory_space<vmem>>) target(%dma_start3A_219 : memref<10112x128xf32, #tpu.memory_space<vmem_shared>>) offsets(%dma_start3A_216 : memref<80xi32, #tpu.memory_space<vmem>>) semaphore(%arg12 : memref<!tpu.dma_semaphore, #tpu.memory_space<semaphore_mem>>) {add = true}
    %dma_wait3A_220 = arith.constant 0 : i32
    %dma_wait3A_221 = arith.constant 63 : i32
    %dma_wait3A_222 = arith.constant 0 : i32
    %dma_wait3A_223 = arith.constant 0 : i32
    %dma_wait3A_224 = tpu.memref_slice %arg7[%dma_wait3A_220, %dma_wait3A_222, %dma_wait3A_223] : memref<3x80x128xf32, #tpu.memory_space<vmem>> -> memref<1x80x128xf32, #tpu.memory_space<vmem>>
    %dma_wait3A_225 = tpu.memref_squeeze %dma_wait3A_224 : memref<1x80x128xf32, #tpu.memory_space<vmem>> -> memref<80x128xf32, #tpu.memory_space<vmem>>
    %dma_wait3A_226 = arith.constant 0 : i32
    %dma_wait3A_227 = tpu.memref_slice %arg6[%dma_wait3A_221, %dma_wait3A_226] : memref<64x80xi32, #tpu.memory_space<vmem>> -> memref<1x80xi32, #tpu.memory_space<vmem>>
    %dma_wait3A_228 = tpu.memref_squeeze %dma_wait3A_227 : memref<1x80xi32, #tpu.memory_space<vmem>> -> memref<80xi32, #tpu.memory_space<vmem>>
    %dma_wait3A_229 = arith.constant 0 : i32
    %dma_wait3A_230 = arith.constant 0 : i32
    %dma_wait3A_231 = tpu.memref_slice %arg8[%dma_wait3A_229, %dma_wait3A_230] : memref<10112x128xf32, #tpu.memory_space<vmem_shared>> -> memref<10112x128xf32, #tpu.memory_space<vmem_shared>>
    tpu.wait_indirect_dma semaphore(%arg12 : memref<!tpu.dma_semaphore, #tpu.memory_space<semaphore_mem>>) src(%dma_wait3A_225 : memref<80x128xf32, #tpu.memory_space<vmem>>) dst(%dma_wait3A_231 : memref<10112x128xf32, #tpu.memory_space<vmem_shared>>)
    %run_scoped3A_232 = arith.constant 0 : i32
    "tpu.region"() ({
      %run_scoped3A_438 = tpu.sem_alloc : memref<!tpu.dma_semaphore, #tpu.memory_space<semaphore_mem>>
      %dma_start3A_439 = arith.constant 0 : i32
      %dma_start3A_440 = arith.constant 0 : i32
      %dma_start3A_441 = tpu.memref_slice %arg5[%dma_start3A_439, %dma_start3A_440] : memref<64x80xi32, #tpu.memory_space<vmem>> -> memref<61x80xi32, #tpu.memory_space<vmem>>
      %dma_start3A_442 = arith.constant 0 : i32
      %dma_start3A_443 = arith.constant 0 : i32
      %dma_start3A_444 = arith.constant 0 : i32
      %dma_start3A_445 = tpu.memref_slice %arg3[%run_scoped3A_232, %dma_start3A_442, %dma_start3A_443, %dma_start3A_444] : memref<2x32x125x80xi32, #tpu.memory_space<hbm>> -> memref<1x32x125x80xi32, #tpu.memory_space<hbm>>
      %dma_start3A_446 = tpu.memref_squeeze %dma_start3A_445 : memref<1x32x125x80xi32, #tpu.memory_space<hbm>> -> memref<32x125x80xi32, #tpu.memory_space<hbm>>
      %dma_start3A_447 = arith.constant 0 : i32
      %dma_start3A_448 = arith.constant 0 : i32
      %dma_start3A_449 = tpu.memref_slice %dma_start3A_446[%add3A, %dma_start3A_447, %dma_start3A_448] : memref<32x125x80xi32, #tpu.memory_space<hbm>> -> memref<1x125x80xi32, #tpu.memory_space<hbm>>
      %dma_start3A_450 = tpu.memref_squeeze %dma_start3A_449 : memref<1x125x80xi32, #tpu.memory_space<hbm>> -> memref<125x80xi32, #tpu.memory_space<hbm>>
      %dma_start3A_451 = arith.constant 64 : i32
      %dma_start3A_452 = arith.constant 0 : i32
      %dma_start3A_453 = tpu.memref_slice %dma_start3A_450[%dma_start3A_451, %dma_start3A_452] : memref<125x80xi32, #tpu.memory_space<hbm>> -> memref<61x80xi32, #tpu.memory_space<hbm>>
      %dma_start3A_454 = arith.constant 0 : i32
      %dma_start3A_455 = arith.constant 0 : i32
      %dma_start3A_456 = tpu.memref_slice %arg5[%dma_start3A_454, %dma_start3A_455] : memref<64x80xi32, #tpu.memory_space<vmem>> -> memref<61x80xi32, #tpu.memory_space<vmem>>
      %dma_start3A_457 = arith.constant 0 : i32
      %dma_start3A_458 = arith.constant 0 : i32
      %dma_start3A_459 = arith.constant 0 : i32
      %dma_start3A_460 = tpu.memref_slice %arg3[%run_scoped3A_232, %dma_start3A_457, %dma_start3A_458, %dma_start3A_459] : memref<2x32x125x80xi32, #tpu.memory_space<hbm>> -> memref<1x32x125x80xi32, #tpu.memory_space<hbm>>
      %dma_start3A_461 = tpu.memref_squeeze %dma_start3A_460 : memref<1x32x125x80xi32, #tpu.memory_space<hbm>> -> memref<32x125x80xi32, #tpu.memory_space<hbm>>
      %dma_start3A_462 = arith.constant 0 : i32
      %dma_start3A_463 = arith.constant 0 : i32
      %dma_start3A_464 = tpu.memref_slice %dma_start3A_461[%add3A, %dma_start3A_462, %dma_start3A_463] : memref<32x125x80xi32, #tpu.memory_space<hbm>> -> memref<1x125x80xi32, #tpu.memory_space<hbm>>
      %dma_start3A_465 = tpu.memref_squeeze %dma_start3A_464 : memref<1x125x80xi32, #tpu.memory_space<hbm>> -> memref<125x80xi32, #tpu.memory_space<hbm>>
      %dma_start3A_466 = arith.constant 64 : i32
      %dma_start3A_467 = arith.constant 0 : i32
      %dma_start3A_468 = tpu.memref_slice %dma_start3A_465[%dma_start3A_466, %dma_start3A_467] : memref<125x80xi32, #tpu.memory_space<hbm>> -> memref<61x80xi32, #tpu.memory_space<hbm>>
      tpu.enqueue_dma source(%dma_start3A_468 : memref<61x80xi32, #tpu.memory_space<hbm>>) target(%dma_start3A_456 : memref<61x80xi32, #tpu.memory_space<vmem>>) target_semaphore(%run_scoped3A_438 : memref<!tpu.dma_semaphore, #tpu.memory_space<semaphore_mem>>)
      %dma_wait3A_469 = arith.constant 0 : i32
      %dma_wait3A_470 = arith.constant 0 : i32
      %dma_wait3A_471 = tpu.memref_slice %arg5[%dma_wait3A_469, %dma_wait3A_470] : memref<64x80xi32, #tpu.memory_space<vmem>> -> memref<61x80xi32, #tpu.memory_space<vmem>>
      %dma_wait3A_472 = arith.constant 0 : i32
      %dma_wait3A_473 = arith.constant 0 : i32
      %dma_wait3A_474 = arith.constant 0 : i32
      %dma_wait3A_475 = tpu.memref_slice %arg3[%run_scoped3A_232, %dma_wait3A_472, %dma_wait3A_473, %dma_wait3A_474] : memref<2x32x125x80xi32, #tpu.memory_space<hbm>> -> memref<1x32x125x80xi32, #tpu.memory_space<hbm>>
      %dma_wait3A_476 = tpu.memref_squeeze %dma_wait3A_475 : memref<1x32x125x80xi32, #tpu.memory_space<hbm>> -> memref<32x125x80xi32, #tpu.memory_space<hbm>>
      %dma_wait3A_477 = arith.constant 0 : i32
      %dma_wait3A_478 = arith.constant 0 : i32
      %dma_wait3A_479 = tpu.memref_slice %dma_wait3A_476[%add3A, %dma_wait3A_477, %dma_wait3A_478] : memref<32x125x80xi32, #tpu.memory_space<hbm>> -> memref<1x125x80xi32, #tpu.memory_space<hbm>>
      %dma_wait3A_480 = tpu.memref_squeeze %dma_wait3A_479 : memref<1x125x80xi32, #tpu.memory_space<hbm>> -> memref<125x80xi32, #tpu.memory_space<hbm>>
      %dma_wait3A_481 = arith.constant 64 : i32
      %dma_wait3A_482 = arith.constant 0 : i32
      %dma_wait3A_483 = tpu.memref_slice %dma_wait3A_480[%dma_wait3A_481, %dma_wait3A_482] : memref<125x80xi32, #tpu.memory_space<hbm>> -> memref<61x80xi32, #tpu.memory_space<hbm>>
      %dma_wait3A_484 = arith.constant 0 : i32
      %dma_wait3A_485 = arith.constant 0 : i32
      %dma_wait3A_486 = tpu.memref_slice %arg5[%dma_wait3A_484, %dma_wait3A_485] : memref<64x80xi32, #tpu.memory_space<vmem>> -> memref<61x80xi32, #tpu.memory_space<vmem>>
      %dma_wait3A_487 = arith.constant 0 : i32
      %dma_wait3A_488 = arith.constant 0 : i32
      %dma_wait3A_489 = arith.constant 0 : i32
      %dma_wait3A_490 = tpu.memref_slice %arg3[%run_scoped3A_232, %dma_wait3A_487, %dma_wait3A_488, %dma_wait3A_489] : memref<2x32x125x80xi32, #tpu.memory_space<hbm>> -> memref<1x32x125x80xi32, #tpu.memory_space<hbm>>
      %dma_wait3A_491 = tpu.memref_squeeze %dma_wait3A_490 : memref<1x32x125x80xi32, #tpu.memory_space<hbm>> -> memref<32x125x80xi32, #tpu.memory_space<hbm>>
      %dma_wait3A_492 = arith.constant 0 : i32
      %dma_wait3A_493 = arith.constant 0 : i32
      %dma_wait3A_494 = tpu.memref_slice %dma_wait3A_491[%add3A, %dma_wait3A_492, %dma_wait3A_493] : memref<32x125x80xi32, #tpu.memory_space<hbm>> -> memref<1x125x80xi32, #tpu.memory_space<hbm>>
      %dma_wait3A_495 = tpu.memref_squeeze %dma_wait3A_494 : memref<1x125x80xi32, #tpu.memory_space<hbm>> -> memref<125x80xi32, #tpu.memory_space<hbm>>
      %dma_wait3A_496 = arith.constant 64 : i32
      %dma_wait3A_497 = arith.constant 0 : i32
      %dma_wait3A_498 = tpu.memref_slice %dma_wait3A_495[%dma_wait3A_496, %dma_wait3A_497] : memref<125x80xi32, #tpu.memory_space<hbm>> -> memref<61x80xi32, #tpu.memory_space<hbm>>
      tpu.wait_dma2 semaphore(%run_scoped3A_438 : memref<!tpu.dma_semaphore, #tpu.memory_space<semaphore_mem>>) src(%dma_wait3A_498 : memref<61x80xi32, #tpu.memory_space<hbm>>) dst(%dma_wait3A_486 : memref<61x80xi32, #tpu.memory_space<vmem>>)
      tpu.yield
    }) : () -> ()
    %run_scoped3A_233 = arith.constant 1 : i32
    "tpu.region"() ({
      %run_scoped3A_438 = tpu.sem_alloc : memref<!tpu.dma_semaphore, #tpu.memory_space<semaphore_mem>>
      %dma_start3A_439 = arith.constant 0 : i32
      %dma_start3A_440 = arith.constant 0 : i32
      %dma_start3A_441 = tpu.memref_slice %arg6[%dma_start3A_439, %dma_start3A_440] : memref<64x80xi32, #tpu.memory_space<vmem>> -> memref<61x80xi32, #tpu.memory_space<vmem>>
      %dma_start3A_442 = arith.constant 0 : i32
      %dma_start3A_443 = arith.constant 0 : i32
      %dma_start3A_444 = arith.constant 0 : i32
      %dma_start3A_445 = tpu.memref_slice %arg3[%run_scoped3A_233, %dma_start3A_442, %dma_start3A_443, %dma_start3A_444] : memref<2x32x125x80xi32, #tpu.memory_space<hbm>> -> memref<1x32x125x80xi32, #tpu.memory_space<hbm>>
      %dma_start3A_446 = tpu.memref_squeeze %dma_start3A_445 : memref<1x32x125x80xi32, #tpu.memory_space<hbm>> -> memref<32x125x80xi32, #tpu.memory_space<hbm>>
      %dma_start3A_447 = arith.constant 0 : i32
      %dma_start3A_448 = arith.constant 0 : i32
      %dma_start3A_449 = tpu.memref_slice %dma_start3A_446[%add3A, %dma_start3A_447, %dma_start3A_448] : memref<32x125x80xi32, #tpu.memory_space<hbm>> -> memref<1x125x80xi32, #tpu.memory_space<hbm>>
      %dma_start3A_450 = tpu.memref_squeeze %dma_start3A_449 : memref<1x125x80xi32, #tpu.memory_space<hbm>> -> memref<125x80xi32, #tpu.memory_space<hbm>>
      %dma_start3A_451 = arith.constant 64 : i32
      %dma_start3A_452 = arith.constant 0 : i32
      %dma_start3A_453 = tpu.memref_slice %dma_start3A_450[%dma_start3A_451, %dma_start3A_452] : memref<125x80xi32, #tpu.memory_space<hbm>> -> memref<61x80xi32, #tpu.memory_space<hbm>>
      %dma_start3A_454 = arith.constant 0 : i32
      %dma_start3A_455 = arith.constant 0 : i32
      %dma_start3A_456 = tpu.memref_slice %arg6[%dma_start3A_454, %dma_start3A_455] : memref<64x80xi32, #tpu.memory_space<vmem>> -> memref<61x80xi32, #tpu.memory_space<vmem>>
      %dma_start3A_457 = arith.constant 0 : i32
      %dma_start3A_458 = arith.constant 0 : i32
      %dma_start3A_459 = arith.constant 0 : i32
      %dma_start3A_460 = tpu.memref_slice %arg3[%run_scoped3A_233, %dma_start3A_457, %dma_start3A_458, %dma_start3A_459] : memref<2x32x125x80xi32, #tpu.memory_space<hbm>> -> memref<1x32x125x80xi32, #tpu.memory_space<hbm>>
      %dma_start3A_461 = tpu.memref_squeeze %dma_start3A_460 : memref<1x32x125x80xi32, #tpu.memory_space<hbm>> -> memref<32x125x80xi32, #tpu.memory_space<hbm>>
      %dma_start3A_462 = arith.constant 0 : i32
      %dma_start3A_463 = arith.constant 0 : i32
      %dma_start3A_464 = tpu.memref_slice %dma_start3A_461[%add3A, %dma_start3A_462, %dma_start3A_463] : memref<32x125x80xi32, #tpu.memory_space<hbm>> -> memref<1x125x80xi32, #tpu.memory_space<hbm>>
      %dma_start3A_465 = tpu.memref_squeeze %dma_start3A_464 : memref<1x125x80xi32, #tpu.memory_space<hbm>> -> memref<125x80xi32, #tpu.memory_space<hbm>>
      %dma_start3A_466 = arith.constant 64 : i32
      %dma_start3A_467 = arith.constant 0 : i32
      %dma_start3A_468 = tpu.memref_slice %dma_start3A_465[%dma_start3A_466, %dma_start3A_467] : memref<125x80xi32, #tpu.memory_space<hbm>> -> memref<61x80xi32, #tpu.memory_space<hbm>>
      tpu.enqueue_dma source(%dma_start3A_468 : memref<61x80xi32, #tpu.memory_space<hbm>>) target(%dma_start3A_456 : memref<61x80xi32, #tpu.memory_space<vmem>>) target_semaphore(%run_scoped3A_438 : memref<!tpu.dma_semaphore, #tpu.memory_space<semaphore_mem>>)
      %dma_wait3A_469 = arith.constant 0 : i32
      %dma_wait3A_470 = arith.constant 0 : i32
      %dma_wait3A_471 = tpu.memref_slice %arg6[%dma_wait3A_469, %dma_wait3A_470] : memref<64x80xi32, #tpu.memory_space<vmem>> -> memref<61x80xi32, #tpu.memory_space<vmem>>
      %dma_wait3A_472 = arith.constant 0 : i32
      %dma_wait3A_473 = arith.constant 0 : i32
      %dma_wait3A_474 = arith.constant 0 : i32
      %dma_wait3A_475 = tpu.memref_slice %arg3[%run_scoped3A_233, %dma_wait3A_472, %dma_wait3A_473, %dma_wait3A_474] : memref<2x32x125x80xi32, #tpu.memory_space<hbm>> -> memref<1x32x125x80xi32, #tpu.memory_space<hbm>>
      %dma_wait3A_476 = tpu.memref_squeeze %dma_wait3A_475 : memref<1x32x125x80xi32, #tpu.memory_space<hbm>> -> memref<32x125x80xi32, #tpu.memory_space<hbm>>
      %dma_wait3A_477 = arith.constant 0 : i32
      %dma_wait3A_478 = arith.constant 0 : i32
      %dma_wait3A_479 = tpu.memref_slice %dma_wait3A_476[%add3A, %dma_wait3A_477, %dma_wait3A_478] : memref<32x125x80xi32, #tpu.memory_space<hbm>> -> memref<1x125x80xi32, #tpu.memory_space<hbm>>
      %dma_wait3A_480 = tpu.memref_squeeze %dma_wait3A_479 : memref<1x125x80xi32, #tpu.memory_space<hbm>> -> memref<125x80xi32, #tpu.memory_space<hbm>>
      %dma_wait3A_481 = arith.constant 64 : i32
      %dma_wait3A_482 = arith.constant 0 : i32
      %dma_wait3A_483 = tpu.memref_slice %dma_wait3A_480[%dma_wait3A_481, %dma_wait3A_482] : memref<125x80xi32, #tpu.memory_space<hbm>> -> memref<61x80xi32, #tpu.memory_space<hbm>>
      %dma_wait3A_484 = arith.constant 0 : i32
      %dma_wait3A_485 = arith.constant 0 : i32
      %dma_wait3A_486 = tpu.memref_slice %arg6[%dma_wait3A_484, %dma_wait3A_485] : memref<64x80xi32, #tpu.memory_space<vmem>> -> memref<61x80xi32, #tpu.memory_space<vmem>>
      %dma_wait3A_487 = arith.constant 0 : i32
      %dma_wait3A_488 = arith.constant 0 : i32
      %dma_wait3A_489 = arith.constant 0 : i32
      %dma_wait3A_490 = tpu.memref_slice %arg3[%run_scoped3A_233, %dma_wait3A_487, %dma_wait3A_488, %dma_wait3A_489] : memref<2x32x125x80xi32, #tpu.memory_space<hbm>> -> memref<1x32x125x80xi32, #tpu.memory_space<hbm>>
      %dma_wait3A_491 = tpu.memref_squeeze %dma_wait3A_490 : memref<1x32x125x80xi32, #tpu.memory_space<hbm>> -> memref<32x125x80xi32, #tpu.memory_space<hbm>>
      %dma_wait3A_492 = arith.constant 0 : i32
      %dma_wait3A_493 = arith.constant 0 : i32
      %dma_wait3A_494 = tpu.memref_slice %dma_wait3A_491[%add3A, %dma_wait3A_492, %dma_wait3A_493] : memref<32x125x80xi32, #tpu.memory_space<hbm>> -> memref<1x125x80xi32, #tpu.memory_space<hbm>>
      %dma_wait3A_495 = tpu.memref_squeeze %dma_wait3A_494 : memref<1x125x80xi32, #tpu.memory_space<hbm>> -> memref<125x80xi32, #tpu.memory_space<hbm>>
      %dma_wait3A_496 = arith.constant 64 : i32
      %dma_wait3A_497 = arith.constant 0 : i32
      %dma_wait3A_498 = tpu.memref_slice %dma_wait3A_495[%dma_wait3A_496, %dma_wait3A_497] : memref<125x80xi32, #tpu.memory_space<hbm>> -> memref<61x80xi32, #tpu.memory_space<hbm>>
      tpu.wait_dma2 semaphore(%run_scoped3A_438 : memref<!tpu.dma_semaphore, #tpu.memory_space<semaphore_mem>>) src(%dma_wait3A_498 : memref<61x80xi32, #tpu.memory_space<hbm>>) dst(%dma_wait3A_486 : memref<61x80xi32, #tpu.memory_space<vmem>>)
      tpu.yield
    }) : () -> ()
    %dma_start3A_234 = arith.constant 0 : i32
    %dma_start3A_235 = arith.constant 1 : i32
    %dma_start3A_236 = arith.constant 0 : i32
    %dma_start3A_237 = arith.constant 0 : i32
    %dma_start3A_238 = tpu.memref_slice %arg7[%dma_start3A_235, %dma_start3A_236, %dma_start3A_237] : memref<3x80x128xf32, #tpu.memory_space<vmem>> -> memref<1x80x128xf32, #tpu.memory_space<vmem>>
    %dma_start3A_239 = tpu.memref_squeeze %dma_start3A_238 : memref<1x80x128xf32, #tpu.memory_space<vmem>> -> memref<80x128xf32, #tpu.memory_space<vmem>>
    %dma_start3A_240 = arith.constant 0 : i32
    %dma_start3A_241 = tpu.memref_slice %arg5[%dma_start3A_234, %dma_start3A_240] : memref<64x80xi32, #tpu.memory_space<vmem>> -> memref<1x80xi32, #tpu.memory_space<vmem>>
    %dma_start3A_242 = tpu.memref_squeeze %dma_start3A_241 : memref<1x80xi32, #tpu.memory_space<vmem>> -> memref<80xi32, #tpu.memory_space<vmem>>
    %dma_start3A_243 = arith.constant 0 : i32
    %dma_start3A_244 = arith.constant 0 : i32
    %dma_start3A_245 = tpu.memref_slice %arg2[%dma_start3A_243, %dma_start3A_244] : memref<10000x128xf32, #tpu.memory_space<hbm>> -> memref<10000x128xf32, #tpu.memory_space<hbm>>
    tpu.enqueue_indirect_dma source(%dma_start3A_245 : memref<10000x128xf32, #tpu.memory_space<hbm>>) target(%dma_start3A_239 : memref<80x128xf32, #tpu.memory_space<vmem>>) offsets(%dma_start3A_242 : memref<80xi32, #tpu.memory_space<vmem>>) semaphore(%arg10 : memref<!tpu.dma_semaphore, #tpu.memory_space<semaphore_mem>>)
    %dma_start3A_246 = arith.constant 1 : i32
    %dma_start3A_247 = arith.constant 2 : i32
    %dma_start3A_248 = arith.constant 0 : i32
    %dma_start3A_249 = arith.constant 0 : i32
    %dma_start3A_250 = tpu.memref_slice %arg7[%dma_start3A_247, %dma_start3A_248, %dma_start3A_249] : memref<3x80x128xf32, #tpu.memory_space<vmem>> -> memref<1x80x128xf32, #tpu.memory_space<vmem>>
    %dma_start3A_251 = tpu.memref_squeeze %dma_start3A_250 : memref<1x80x128xf32, #tpu.memory_space<vmem>> -> memref<80x128xf32, #tpu.memory_space<vmem>>
    %dma_start3A_252 = arith.constant 0 : i32
    %dma_start3A_253 = tpu.memref_slice %arg5[%dma_start3A_246, %dma_start3A_252] : memref<64x80xi32, #tpu.memory_space<vmem>> -> memref<1x80xi32, #tpu.memory_space<vmem>>
    %dma_start3A_254 = tpu.memref_squeeze %dma_start3A_253 : memref<1x80xi32, #tpu.memory_space<vmem>> -> memref<80xi32, #tpu.memory_space<vmem>>
    %dma_start3A_255 = arith.constant 0 : i32
    %dma_start3A_256 = arith.constant 0 : i32
    %dma_start3A_257 = tpu.memref_slice %arg2[%dma_start3A_255, %dma_start3A_256] : memref<10000x128xf32, #tpu.memory_space<hbm>> -> memref<10000x128xf32, #tpu.memory_space<hbm>>
    tpu.enqueue_indirect_dma source(%dma_start3A_257 : memref<10000x128xf32, #tpu.memory_space<hbm>>) target(%dma_start3A_251 : memref<80x128xf32, #tpu.memory_space<vmem>>) offsets(%dma_start3A_254 : memref<80xi32, #tpu.memory_space<vmem>>) semaphore(%arg11 : memref<!tpu.dma_semaphore, #tpu.memory_space<semaphore_mem>>)
    %dma_start3A_258 = arith.constant 2 : i32
    %dma_start3A_259 = arith.constant 0 : i32
    %dma_start3A_260 = arith.constant 0 : i32
    %dma_start3A_261 = arith.constant 0 : i32
    %dma_start3A_262 = tpu.memref_slice %arg7[%dma_start3A_259, %dma_start3A_260, %dma_start3A_261] : memref<3x80x128xf32, #tpu.memory_space<vmem>> -> memref<1x80x128xf32, #tpu.memory_space<vmem>>
    %dma_start3A_263 = tpu.memref_squeeze %dma_start3A_262 : memref<1x80x128xf32, #tpu.memory_space<vmem>> -> memref<80x128xf32, #tpu.memory_space<vmem>>
    %dma_start3A_264 = arith.constant 0 : i32
    %dma_start3A_265 = tpu.memref_slice %arg5[%dma_start3A_258, %dma_start3A_264] : memref<64x80xi32, #tpu.memory_space<vmem>> -> memref<1x80xi32, #tpu.memory_space<vmem>>
    %dma_start3A_266 = tpu.memref_squeeze %dma_start3A_265 : memref<1x80xi32, #tpu.memory_space<vmem>> -> memref<80xi32, #tpu.memory_space<vmem>>
    %dma_start3A_267 = arith.constant 0 : i32
    %dma_start3A_268 = arith.constant 0 : i32
    %dma_start3A_269 = tpu.memref_slice %arg2[%dma_start3A_267, %dma_start3A_268] : memref<10000x128xf32, #tpu.memory_space<hbm>> -> memref<10000x128xf32, #tpu.memory_space<hbm>>
    tpu.enqueue_indirect_dma source(%dma_start3A_269 : memref<10000x128xf32, #tpu.memory_space<hbm>>) target(%dma_start3A_263 : memref<80x128xf32, #tpu.memory_space<vmem>>) offsets(%dma_start3A_266 : memref<80xi32, #tpu.memory_space<vmem>>) semaphore(%arg9 : memref<!tpu.dma_semaphore, #tpu.memory_space<semaphore_mem>>)
    %scan3A_270 = arith.constant 0 : i32
    %scan3A_271 = arith.constant 0 : i32
    %scan3A_272 = arith.constant 19 : i32
    %scan3A_273 = arith.addi %scan3A_271, %scan3A_272 : i32
    %scan3A_274 = arith.constant 1 : i32
    %scan3A_275 = scf.for %scan3A_438 = %scan3A_271 to %scan3A_273 step %scan3A_274 iter_args(%scan3A_439 = %scan3A_270) -> (i32)  : i32 {
      %mul3A_440 = arith.constant 3 : i32
      %mul3A_441 = arith.muli %scan3A_438, %mul3A_440 : i32
      %add3A_442 = arith.constant 0 : i32
      %add3A_443 = arith.addi %mul3A_441, %add3A_442 : i32
      %dma_wait3A_444 = arith.constant 1 : i32
      %dma_wait3A_445 = arith.constant 0 : i32
      %dma_wait3A_446 = arith.constant 0 : i32
      %dma_wait3A_447 = tpu.memref_slice %arg7[%dma_wait3A_444, %dma_wait3A_445, %dma_wait3A_446] : memref<3x80x128xf32, #tpu.memory_space<vmem>> -> memref<1x80x128xf32, #tpu.memory_space<vmem>>
      %dma_wait3A_448 = tpu.memref_squeeze %dma_wait3A_447 : memref<1x80x128xf32, #tpu.memory_space<vmem>> -> memref<80x128xf32, #tpu.memory_space<vmem>>
      %dma_wait3A_449 = arith.constant 0 : i32
      %dma_wait3A_450 = tpu.memref_slice %arg5[%add3A_443, %dma_wait3A_449] : memref<64x80xi32, #tpu.memory_space<vmem>> -> memref<1x80xi32, #tpu.memory_space<vmem>>
      %dma_wait3A_451 = tpu.memref_squeeze %dma_wait3A_450 : memref<1x80xi32, #tpu.memory_space<vmem>> -> memref<80xi32, #tpu.memory_space<vmem>>
      %dma_wait3A_452 = arith.constant 0 : i32
      %dma_wait3A_453 = arith.constant 0 : i32
      %dma_wait3A_454 = tpu.memref_slice %arg2[%dma_wait3A_452, %dma_wait3A_453] : memref<10000x128xf32, #tpu.memory_space<hbm>> -> memref<10000x128xf32, #tpu.memory_space<hbm>>
      tpu.wait_indirect_dma semaphore(%arg10 : memref<!tpu.dma_semaphore, #tpu.memory_space<semaphore_mem>>) src(%dma_wait3A_454 : memref<10000x128xf32, #tpu.memory_space<hbm>>) dst(%dma_wait3A_448 : memref<80x128xf32, #tpu.memory_space<vmem>>)
      %dma_start3A_455 = arith.constant 1 : i32
      %dma_start3A_456 = arith.constant 0 : i32
      %dma_start3A_457 = arith.constant 0 : i32
      %dma_start3A_458 = tpu.memref_slice %arg7[%dma_start3A_455, %dma_start3A_456, %dma_start3A_457] : memref<3x80x128xf32, #tpu.memory_space<vmem>> -> memref<1x80x128xf32, #tpu.memory_space<vmem>>
      %dma_start3A_459 = tpu.memref_squeeze %dma_start3A_458 : memref<1x80x128xf32, #tpu.memory_space<vmem>> -> memref<80x128xf32, #tpu.memory_space<vmem>>
      %dma_start3A_460 = arith.constant 0 : i32
      %dma_start3A_461 = tpu.memref_slice %arg6[%add3A_443, %dma_start3A_460] : memref<64x80xi32, #tpu.memory_space<vmem>> -> memref<1x80xi32, #tpu.memory_space<vmem>>
      %dma_start3A_462 = tpu.memref_squeeze %dma_start3A_461 : memref<1x80xi32, #tpu.memory_space<vmem>> -> memref<80xi32, #tpu.memory_space<vmem>>
      %dma_start3A_463 = arith.constant 0 : i32
      %dma_start3A_464 = arith.constant 0 : i32
      %dma_start3A_465 = tpu.memref_slice %arg8[%dma_start3A_463, %dma_start3A_464] : memref<10112x128xf32, #tpu.memory_space<vmem_shared>> -> memref<10112x128xf32, #tpu.memory_space<vmem_shared>>
      tpu.enqueue_indirect_dma source(%dma_start3A_459 : memref<80x128xf32, #tpu.memory_space<vmem>>) target(%dma_start3A_465 : memref<10112x128xf32, #tpu.memory_space<vmem_shared>>) offsets(%dma_start3A_462 : memref<80xi32, #tpu.memory_space<vmem>>) semaphore(%arg13 : memref<!tpu.dma_semaphore, #tpu.memory_space<semaphore_mem>>) {add = true}
      %dma_wait3A_466 = arith.constant 1 : i32
      %dma_wait3A_467 = arith.constant 0 : i32
      %dma_wait3A_468 = arith.constant 0 : i32
      %dma_wait3A_469 = tpu.memref_slice %arg7[%dma_wait3A_466, %dma_wait3A_467, %dma_wait3A_468] : memref<3x80x128xf32, #tpu.memory_space<vmem>> -> memref<1x80x128xf32, #tpu.memory_space<vmem>>
      %dma_wait3A_470 = tpu.memref_squeeze %dma_wait3A_469 : memref<1x80x128xf32, #tpu.memory_space<vmem>> -> memref<80x128xf32, #tpu.memory_space<vmem>>
      %dma_wait3A_471 = arith.constant 0 : i32
      %dma_wait3A_472 = tpu.memref_slice %arg6[%add3A_443, %dma_wait3A_471] : memref<64x80xi32, #tpu.memory_space<vmem>> -> memref<1x80xi32, #tpu.memory_space<vmem>>
      %dma_wait3A_473 = tpu.memref_squeeze %dma_wait3A_472 : memref<1x80xi32, #tpu.memory_space<vmem>> -> memref<80xi32, #tpu.memory_space<vmem>>
      %dma_wait3A_474 = arith.constant 0 : i32
      %dma_wait3A_475 = arith.constant 0 : i32
      %dma_wait3A_476 = tpu.memref_slice %arg8[%dma_wait3A_474, %dma_wait3A_475] : memref<10112x128xf32, #tpu.memory_space<vmem_shared>> -> memref<10112x128xf32, #tpu.memory_space<vmem_shared>>
      tpu.wait_indirect_dma semaphore(%arg13 : memref<!tpu.dma_semaphore, #tpu.memory_space<semaphore_mem>>) src(%dma_wait3A_470 : memref<80x128xf32, #tpu.memory_space<vmem>>) dst(%dma_wait3A_476 : memref<10112x128xf32, #tpu.memory_space<vmem_shared>>)
      %add3A_477 = arith.constant 3 : i32
      %add3A_478 = arith.addi %add3A_443, %add3A_477 : i32
      %dma_start3A_479 = arith.constant 1 : i32
      %dma_start3A_480 = arith.constant 0 : i32
      %dma_start3A_481 = arith.constant 0 : i32
      %dma_start3A_482 = tpu.memref_slice %arg7[%dma_start3A_479, %dma_start3A_480, %dma_start3A_481] : memref<3x80x128xf32, #tpu.memory_space<vmem>> -> memref<1x80x128xf32, #tpu.memory_space<vmem>>
      %dma_start3A_483 = tpu.memref_squeeze %dma_start3A_482 : memref<1x80x128xf32, #tpu.memory_space<vmem>> -> memref<80x128xf32, #tpu.memory_space<vmem>>
      %dma_start3A_484 = arith.constant 0 : i32
      %dma_start3A_485 = tpu.memref_slice %arg5[%add3A_478, %dma_start3A_484] : memref<64x80xi32, #tpu.memory_space<vmem>> -> memref<1x80xi32, #tpu.memory_space<vmem>>
      %dma_start3A_486 = tpu.memref_squeeze %dma_start3A_485 : memref<1x80xi32, #tpu.memory_space<vmem>> -> memref<80xi32, #tpu.memory_space<vmem>>
      %dma_start3A_487 = arith.constant 0 : i32
      %dma_start3A_488 = arith.constant 0 : i32
      %dma_start3A_489 = tpu.memref_slice %arg2[%dma_start3A_487, %dma_start3A_488] : memref<10000x128xf32, #tpu.memory_space<hbm>> -> memref<10000x128xf32, #tpu.memory_space<hbm>>
      tpu.enqueue_indirect_dma source(%dma_start3A_489 : memref<10000x128xf32, #tpu.memory_space<hbm>>) target(%dma_start3A_483 : memref<80x128xf32, #tpu.memory_space<vmem>>) offsets(%dma_start3A_486 : memref<80xi32, #tpu.memory_space<vmem>>) semaphore(%arg10 : memref<!tpu.dma_semaphore, #tpu.memory_space<semaphore_mem>>)
      %mul3A_490 = arith.constant 3 : i32
      %mul3A_491 = arith.muli %scan3A_438, %mul3A_490 : i32
      %add3A_492 = arith.constant 1 : i32
      %add3A_493 = arith.addi %mul3A_491, %add3A_492 : i32
      %dma_wait3A_494 = arith.constant 2 : i32
      %dma_wait3A_495 = arith.constant 0 : i32
      %dma_wait3A_496 = arith.constant 0 : i32
      %dma_wait3A_497 = tpu.memref_slice %arg7[%dma_wait3A_494, %dma_wait3A_495, %dma_wait3A_496] : memref<3x80x128xf32, #tpu.memory_space<vmem>> -> memref<1x80x128xf32, #tpu.memory_space<vmem>>
      %dma_wait3A_498 = tpu.memref_squeeze %dma_wait3A_497 : memref<1x80x128xf32, #tpu.memory_space<vmem>> -> memref<80x128xf32, #tpu.memory_space<vmem>>
      %dma_wait3A_499 = arith.constant 0 : i32
      %dma_wait3A_500 = tpu.memref_slice %arg5[%add3A_493, %dma_wait3A_499] : memref<64x80xi32, #tpu.memory_space<vmem>> -> memref<1x80xi32, #tpu.memory_space<vmem>>
      %dma_wait3A_501 = tpu.memref_squeeze %dma_wait3A_500 : memref<1x80xi32, #tpu.memory_space<vmem>> -> memref<80xi32, #tpu.memory_space<vmem>>
      %dma_wait3A_502 = arith.constant 0 : i32
      %dma_wait3A_503 = arith.constant 0 : i32
      %dma_wait3A_504 = tpu.memref_slice %arg2[%dma_wait3A_502, %dma_wait3A_503] : memref<10000x128xf32, #tpu.memory_space<hbm>> -> memref<10000x128xf32, #tpu.memory_space<hbm>>
      tpu.wait_indirect_dma semaphore(%arg11 : memref<!tpu.dma_semaphore, #tpu.memory_space<semaphore_mem>>) src(%dma_wait3A_504 : memref<10000x128xf32, #tpu.memory_space<hbm>>) dst(%dma_wait3A_498 : memref<80x128xf32, #tpu.memory_space<vmem>>)
      %dma_start3A_505 = arith.constant 2 : i32
      %dma_start3A_506 = arith.constant 0 : i32
      %dma_start3A_507 = arith.constant 0 : i32
      %dma_start3A_508 = tpu.memref_slice %arg7[%dma_start3A_505, %dma_start3A_506, %dma_start3A_507] : memref<3x80x128xf32, #tpu.memory_space<vmem>> -> memref<1x80x128xf32, #tpu.memory_space<vmem>>
      %dma_start3A_509 = tpu.memref_squeeze %dma_start3A_508 : memref<1x80x128xf32, #tpu.memory_space<vmem>> -> memref<80x128xf32, #tpu.memory_space<vmem>>
      %dma_start3A_510 = arith.constant 0 : i32
      %dma_start3A_511 = tpu.memref_slice %arg6[%add3A_493, %dma_start3A_510] : memref<64x80xi32, #tpu.memory_space<vmem>> -> memref<1x80xi32, #tpu.memory_space<vmem>>
      %dma_start3A_512 = tpu.memref_squeeze %dma_start3A_511 : memref<1x80xi32, #tpu.memory_space<vmem>> -> memref<80xi32, #tpu.memory_space<vmem>>
      %dma_start3A_513 = arith.constant 0 : i32
      %dma_start3A_514 = arith.constant 0 : i32
      %dma_start3A_515 = tpu.memref_slice %arg8[%dma_start3A_513, %dma_start3A_514] : memref<10112x128xf32, #tpu.memory_space<vmem_shared>> -> memref<10112x128xf32, #tpu.memory_space<vmem_shared>>
      tpu.enqueue_indirect_dma source(%dma_start3A_509 : memref<80x128xf32, #tpu.memory_space<vmem>>) target(%dma_start3A_515 : memref<10112x128xf32, #tpu.memory_space<vmem_shared>>) offsets(%dma_start3A_512 : memref<80xi32, #tpu.memory_space<vmem>>) semaphore(%arg14 : memref<!tpu.dma_semaphore, #tpu.memory_space<semaphore_mem>>) {add = true}
      %dma_wait3A_516 = arith.constant 2 : i32
      %dma_wait3A_517 = arith.constant 0 : i32
      %dma_wait3A_518 = arith.constant 0 : i32
      %dma_wait3A_519 = tpu.memref_slice %arg7[%dma_wait3A_516, %dma_wait3A_517, %dma_wait3A_518] : memref<3x80x128xf32, #tpu.memory_space<vmem>> -> memref<1x80x128xf32, #tpu.memory_space<vmem>>
      %dma_wait3A_520 = tpu.memref_squeeze %dma_wait3A_519 : memref<1x80x128xf32, #tpu.memory_space<vmem>> -> memref<80x128xf32, #tpu.memory_space<vmem>>
      %dma_wait3A_521 = arith.constant 0 : i32
      %dma_wait3A_522 = tpu.memref_slice %arg6[%add3A_493, %dma_wait3A_521] : memref<64x80xi32, #tpu.memory_space<vmem>> -> memref<1x80xi32, #tpu.memory_space<vmem>>
      %dma_wait3A_523 = tpu.memref_squeeze %dma_wait3A_522 : memref<1x80xi32, #tpu.memory_space<vmem>> -> memref<80xi32, #tpu.memory_space<vmem>>
      %dma_wait3A_524 = arith.constant 0 : i32
      %dma_wait3A_525 = arith.constant 0 : i32
      %dma_wait3A_526 = tpu.memref_slice %arg8[%dma_wait3A_524, %dma_wait3A_525] : memref<10112x128xf32, #tpu.memory_space<vmem_shared>> -> memref<10112x128xf32, #tpu.memory_space<vmem_shared>>
      tpu.wait_indirect_dma semaphore(%arg14 : memref<!tpu.dma_semaphore, #tpu.memory_space<semaphore_mem>>) src(%dma_wait3A_520 : memref<80x128xf32, #tpu.memory_space<vmem>>) dst(%dma_wait3A_526 : memref<10112x128xf32, #tpu.memory_space<vmem_shared>>)
      %add3A_527 = arith.constant 3 : i32
      %add3A_528 = arith.addi %add3A_493, %add3A_527 : i32
      %dma_start3A_529 = arith.constant 2 : i32
      %dma_start3A_530 = arith.constant 0 : i32
      %dma_start3A_531 = arith.constant 0 : i32
      %dma_start3A_532 = tpu.memref_slice %arg7[%dma_start3A_529, %dma_start3A_530, %dma_start3A_531] : memref<3x80x128xf32, #tpu.memory_space<vmem>> -> memref<1x80x128xf32, #tpu.memory_space<vmem>>
      %dma_start3A_533 = tpu.memref_squeeze %dma_start3A_532 : memref<1x80x128xf32, #tpu.memory_space<vmem>> -> memref<80x128xf32, #tpu.memory_space<vmem>>
      %dma_start3A_534 = arith.constant 0 : i32
      %dma_start3A_535 = tpu.memref_slice %arg5[%add3A_528, %dma_start3A_534] : memref<64x80xi32, #tpu.memory_space<vmem>> -> memref<1x80xi32, #tpu.memory_space<vmem>>
      %dma_start3A_536 = tpu.memref_squeeze %dma_start3A_535 : memref<1x80xi32, #tpu.memory_space<vmem>> -> memref<80xi32, #tpu.memory_space<vmem>>
      %dma_start3A_537 = arith.constant 0 : i32
      %dma_start3A_538 = arith.constant 0 : i32
      %dma_start3A_539 = tpu.memref_slice %arg2[%dma_start3A_537, %dma_start3A_538] : memref<10000x128xf32, #tpu.memory_space<hbm>> -> memref<10000x128xf32, #tpu.memory_space<hbm>>
      tpu.enqueue_indirect_dma source(%dma_start3A_539 : memref<10000x128xf32, #tpu.memory_space<hbm>>) target(%dma_start3A_533 : memref<80x128xf32, #tpu.memory_space<vmem>>) offsets(%dma_start3A_536 : memref<80xi32, #tpu.memory_space<vmem>>) semaphore(%arg11 : memref<!tpu.dma_semaphore, #tpu.memory_space<semaphore_mem>>)
      %mul3A_540 = arith.constant 3 : i32
      %mul3A_541 = arith.muli %scan3A_438, %mul3A_540 : i32
      %add3A_542 = arith.constant 2 : i32
      %add3A_543 = arith.addi %mul3A_541, %add3A_542 : i32
      %dma_wait3A_544 = arith.constant 0 : i32
      %dma_wait3A_545 = arith.constant 0 : i32
      %dma_wait3A_546 = arith.constant 0 : i32
      %dma_wait3A_547 = tpu.memref_slice %arg7[%dma_wait3A_544, %dma_wait3A_545, %dma_wait3A_546] : memref<3x80x128xf32, #tpu.memory_space<vmem>> -> memref<1x80x128xf32, #tpu.memory_space<vmem>>
      %dma_wait3A_548 = tpu.memref_squeeze %dma_wait3A_547 : memref<1x80x128xf32, #tpu.memory_space<vmem>> -> memref<80x128xf32, #tpu.memory_space<vmem>>
      %dma_wait3A_549 = arith.constant 0 : i32
      %dma_wait3A_550 = tpu.memref_slice %arg5[%add3A_543, %dma_wait3A_549] : memref<64x80xi32, #tpu.memory_space<vmem>> -> memref<1x80xi32, #tpu.memory_space<vmem>>
      %dma_wait3A_551 = tpu.memref_squeeze %dma_wait3A_550 : memref<1x80xi32, #tpu.memory_space<vmem>> -> memref<80xi32, #tpu.memory_space<vmem>>
      %dma_wait3A_552 = arith.constant 0 : i32
      %dma_wait3A_553 = arith.constant 0 : i32
      %dma_wait3A_554 = tpu.memref_slice %arg2[%dma_wait3A_552, %dma_wait3A_553] : memref<10000x128xf32, #tpu.memory_space<hbm>> -> memref<10000x128xf32, #tpu.memory_space<hbm>>
      tpu.wait_indirect_dma semaphore(%arg9 : memref<!tpu.dma_semaphore, #tpu.memory_space<semaphore_mem>>) src(%dma_wait3A_554 : memref<10000x128xf32, #tpu.memory_space<hbm>>) dst(%dma_wait3A_548 : memref<80x128xf32, #tpu.memory_space<vmem>>)
      %dma_start3A_555 = arith.constant 0 : i32
      %dma_start3A_556 = arith.constant 0 : i32
      %dma_start3A_557 = arith.constant 0 : i32
      %dma_start3A_558 = tpu.memref_slice %arg7[%dma_start3A_555, %dma_start3A_556, %dma_start3A_557] : memref<3x80x128xf32, #tpu.memory_space<vmem>> -> memref<1x80x128xf32, #tpu.memory_space<vmem>>
      %dma_start3A_559 = tpu.memref_squeeze %dma_start3A_558 : memref<1x80x128xf32, #tpu.memory_space<vmem>> -> memref<80x128xf32, #tpu.memory_space<vmem>>
      %dma_start3A_560 = arith.constant 0 : i32
      %dma_start3A_561 = tpu.memref_slice %arg6[%add3A_543, %dma_start3A_560] : memref<64x80xi32, #tpu.memory_space<vmem>> -> memref<1x80xi32, #tpu.memory_space<vmem>>
      %dma_start3A_562 = tpu.memref_squeeze %dma_start3A_561 : memref<1x80xi32, #tpu.memory_space<vmem>> -> memref<80xi32, #tpu.memory_space<vmem>>
      %dma_start3A_563 = arith.constant 0 : i32
      %dma_start3A_564 = arith.constant 0 : i32
      %dma_start3A_565 = tpu.memref_slice %arg8[%dma_start3A_563, %dma_start3A_564] : memref<10112x128xf32, #tpu.memory_space<vmem_shared>> -> memref<10112x128xf32, #tpu.memory_space<vmem_shared>>
      tpu.enqueue_indirect_dma source(%dma_start3A_559 : memref<80x128xf32, #tpu.memory_space<vmem>>) target(%dma_start3A_565 : memref<10112x128xf32, #tpu.memory_space<vmem_shared>>) offsets(%dma_start3A_562 : memref<80xi32, #tpu.memory_space<vmem>>) semaphore(%arg12 : memref<!tpu.dma_semaphore, #tpu.memory_space<semaphore_mem>>) {add = true}
      %dma_wait3A_566 = arith.constant 0 : i32
      %dma_wait3A_567 = arith.constant 0 : i32
      %dma_wait3A_568 = arith.constant 0 : i32
      %dma_wait3A_569 = tpu.memref_slice %arg7[%dma_wait3A_566, %dma_wait3A_567, %dma_wait3A_568] : memref<3x80x128xf32, #tpu.memory_space<vmem>> -> memref<1x80x128xf32, #tpu.memory_space<vmem>>
      %dma_wait3A_570 = tpu.memref_squeeze %dma_wait3A_569 : memref<1x80x128xf32, #tpu.memory_space<vmem>> -> memref<80x128xf32, #tpu.memory_space<vmem>>
      %dma_wait3A_571 = arith.constant 0 : i32
      %dma_wait3A_572 = tpu.memref_slice %arg6[%add3A_543, %dma_wait3A_571] : memref<64x80xi32, #tpu.memory_space<vmem>> -> memref<1x80xi32, #tpu.memory_space<vmem>>
      %dma_wait3A_573 = tpu.memref_squeeze %dma_wait3A_572 : memref<1x80xi32, #tpu.memory_space<vmem>> -> memref<80xi32, #tpu.memory_space<vmem>>
      %dma_wait3A_574 = arith.constant 0 : i32
      %dma_wait3A_575 = arith.constant 0 : i32
      %dma_wait3A_576 = tpu.memref_slice %arg8[%dma_wait3A_574, %dma_wait3A_575] : memref<10112x128xf32, #tpu.memory_space<vmem_shared>> -> memref<10112x128xf32, #tpu.memory_space<vmem_shared>>
      tpu.wait_indirect_dma semaphore(%arg12 : memref<!tpu.dma_semaphore, #tpu.memory_space<semaphore_mem>>) src(%dma_wait3A_570 : memref<80x128xf32, #tpu.memory_space<vmem>>) dst(%dma_wait3A_576 : memref<10112x128xf32, #tpu.memory_space<vmem_shared>>)
      %add3A_577 = arith.constant 3 : i32
      %add3A_578 = arith.addi %add3A_543, %add3A_577 : i32
      %dma_start3A_579 = arith.constant 0 : i32
      %dma_start3A_580 = arith.constant 0 : i32
      %dma_start3A_581 = arith.constant 0 : i32
      %dma_start3A_582 = tpu.memref_slice %arg7[%dma_start3A_579, %dma_start3A_580, %dma_start3A_581] : memref<3x80x128xf32, #tpu.memory_space<vmem>> -> memref<1x80x128xf32, #tpu.memory_space<vmem>>
      %dma_start3A_583 = tpu.memref_squeeze %dma_start3A_582 : memref<1x80x128xf32, #tpu.memory_space<vmem>> -> memref<80x128xf32, #tpu.memory_space<vmem>>
      %dma_start3A_584 = arith.constant 0 : i32
      %dma_start3A_585 = tpu.memref_slice %arg5[%add3A_578, %dma_start3A_584] : memref<64x80xi32, #tpu.memory_space<vmem>> -> memref<1x80xi32, #tpu.memory_space<vmem>>
      %dma_start3A_586 = tpu.memref_squeeze %dma_start3A_585 : memref<1x80xi32, #tpu.memory_space<vmem>> -> memref<80xi32, #tpu.memory_space<vmem>>
      %dma_start3A_587 = arith.constant 0 : i32
      %dma_start3A_588 = arith.constant 0 : i32
      %dma_start3A_589 = tpu.memref_slice %arg2[%dma_start3A_587, %dma_start3A_588] : memref<10000x128xf32, #tpu.memory_space<hbm>> -> memref<10000x128xf32, #tpu.memory_space<hbm>>
      tpu.enqueue_indirect_dma source(%dma_start3A_589 : memref<10000x128xf32, #tpu.memory_space<hbm>>) target(%dma_start3A_583 : memref<80x128xf32, #tpu.memory_space<vmem>>) offsets(%dma_start3A_586 : memref<80xi32, #tpu.memory_space<vmem>>) semaphore(%arg9 : memref<!tpu.dma_semaphore, #tpu.memory_space<semaphore_mem>>)
      %scan3A_590 = arith.constant 0 : i32
      scf.yield %scan3A_590 : i32
    }
    %scan3A_276 = arith.constant 19 : i32
    %dma_wait3A_277 = arith.constant 57 : i32
    %dma_wait3A_278 = arith.constant 1 : i32
    %dma_wait3A_279 = arith.constant 0 : i32
    %dma_wait3A_280 = arith.constant 0 : i32
    %dma_wait3A_281 = tpu.memref_slice %arg7[%dma_wait3A_278, %dma_wait3A_279, %dma_wait3A_280] : memref<3x80x128xf32, #tpu.memory_space<vmem>> -> memref<1x80x128xf32, #tpu.memory_space<vmem>>
    %dma_wait3A_282 = tpu.memref_squeeze %dma_wait3A_281 : memref<1x80x128xf32, #tpu.memory_space<vmem>> -> memref<80x128xf32, #tpu.memory_space<vmem>>
    %dma_wait3A_283 = arith.constant 0 : i32
    %dma_wait3A_284 = tpu.memref_slice %arg5[%dma_wait3A_277, %dma_wait3A_283] : memref<64x80xi32, #tpu.memory_space<vmem>> -> memref<1x80xi32, #tpu.memory_space<vmem>>
    %dma_wait3A_285 = tpu.memref_squeeze %dma_wait3A_284 : memref<1x80xi32, #tpu.memory_space<vmem>> -> memref<80xi32, #tpu.memory_space<vmem>>
    %dma_wait3A_286 = arith.constant 0 : i32
    %dma_wait3A_287 = arith.constant 0 : i32
    %dma_wait3A_288 = tpu.memref_slice %arg2[%dma_wait3A_286, %dma_wait3A_287] : memref<10000x128xf32, #tpu.memory_space<hbm>> -> memref<10000x128xf32, #tpu.memory_space<hbm>>
    tpu.wait_indirect_dma semaphore(%arg10 : memref<!tpu.dma_semaphore, #tpu.memory_space<semaphore_mem>>) src(%dma_wait3A_288 : memref<10000x128xf32, #tpu.memory_space<hbm>>) dst(%dma_wait3A_282 : memref<80x128xf32, #tpu.memory_space<vmem>>)
    %dma_start3A_289 = arith.constant 1 : i32
    %dma_start3A_290 = arith.constant 57 : i32
    %dma_start3A_291 = arith.constant 0 : i32
    %dma_start3A_292 = arith.constant 0 : i32
    %dma_start3A_293 = tpu.memref_slice %arg7[%dma_start3A_289, %dma_start3A_291, %dma_start3A_292] : memref<3x80x128xf32, #tpu.memory_space<vmem>> -> memref<1x80x128xf32, #tpu.memory_space<vmem>>
    %dma_start3A_294 = tpu.memref_squeeze %dma_start3A_293 : memref<1x80x128xf32, #tpu.memory_space<vmem>> -> memref<80x128xf32, #tpu.memory_space<vmem>>
    %dma_start3A_295 = arith.constant 0 : i32
    %dma_start3A_296 = tpu.memref_slice %arg6[%dma_start3A_290, %dma_start3A_295] : memref<64x80xi32, #tpu.memory_space<vmem>> -> memref<1x80xi32, #tpu.memory_space<vmem>>
    %dma_start3A_297 = tpu.memref_squeeze %dma_start3A_296 : memref<1x80xi32, #tpu.memory_space<vmem>> -> memref<80xi32, #tpu.memory_space<vmem>>
    %dma_start3A_298 = arith.constant 0 : i32
    %dma_start3A_299 = arith.constant 0 : i32
    %dma_start3A_300 = tpu.memref_slice %arg8[%dma_start3A_298, %dma_start3A_299] : memref<10112x128xf32, #tpu.memory_space<vmem_shared>> -> memref<10112x128xf32, #tpu.memory_space<vmem_shared>>
    tpu.enqueue_indirect_dma source(%dma_start3A_294 : memref<80x128xf32, #tpu.memory_space<vmem>>) target(%dma_start3A_300 : memref<10112x128xf32, #tpu.memory_space<vmem_shared>>) offsets(%dma_start3A_297 : memref<80xi32, #tpu.memory_space<vmem>>) semaphore(%arg13 : memref<!tpu.dma_semaphore, #tpu.memory_space<semaphore_mem>>) {add = true}
    %dma_wait3A_301 = arith.constant 1 : i32
    %dma_wait3A_302 = arith.constant 57 : i32
    %dma_wait3A_303 = arith.constant 0 : i32
    %dma_wait3A_304 = arith.constant 0 : i32
    %dma_wait3A_305 = tpu.memref_slice %arg7[%dma_wait3A_301, %dma_wait3A_303, %dma_wait3A_304] : memref<3x80x128xf32, #tpu.memory_space<vmem>> -> memref<1x80x128xf32, #tpu.memory_space<vmem>>
    %dma_wait3A_306 = tpu.memref_squeeze %dma_wait3A_305 : memref<1x80x128xf32, #tpu.memory_space<vmem>> -> memref<80x128xf32, #tpu.memory_space<vmem>>
    %dma_wait3A_307 = arith.constant 0 : i32
    %dma_wait3A_308 = tpu.memref_slice %arg6[%dma_wait3A_302, %dma_wait3A_307] : memref<64x80xi32, #tpu.memory_space<vmem>> -> memref<1x80xi32, #tpu.memory_space<vmem>>
    %dma_wait3A_309 = tpu.memref_squeeze %dma_wait3A_308 : memref<1x80xi32, #tpu.memory_space<vmem>> -> memref<80xi32, #tpu.memory_space<vmem>>
    %dma_wait3A_310 = arith.constant 0 : i32
    %dma_wait3A_311 = arith.constant 0 : i32
    %dma_wait3A_312 = tpu.memref_slice %arg8[%dma_wait3A_310, %dma_wait3A_311] : memref<10112x128xf32, #tpu.memory_space<vmem_shared>> -> memref<10112x128xf32, #tpu.memory_space<vmem_shared>>
    tpu.wait_indirect_dma semaphore(%arg13 : memref<!tpu.dma_semaphore, #tpu.memory_space<semaphore_mem>>) src(%dma_wait3A_306 : memref<80x128xf32, #tpu.memory_space<vmem>>) dst(%dma_wait3A_312 : memref<10112x128xf32, #tpu.memory_space<vmem_shared>>)
    %dma_start3A_313 = arith.constant 60 : i32
    %dma_start3A_314 = arith.constant 1 : i32
    %dma_start3A_315 = arith.constant 0 : i32
    %dma_start3A_316 = arith.constant 0 : i32
    %dma_start3A_317 = tpu.memref_slice %arg7[%dma_start3A_314, %dma_start3A_315, %dma_start3A_316] : memref<3x80x128xf32, #tpu.memory_space<vmem>> -> memref<1x80x128xf32, #tpu.memory_space<vmem>>
    %dma_start3A_318 = tpu.memref_squeeze %dma_start3A_317 : memref<1x80x128xf32, #tpu.memory_space<vmem>> -> memref<80x128xf32, #tpu.memory_space<vmem>>
    %dma_start3A_319 = arith.constant 0 : i32
    %dma_start3A_320 = tpu.memref_slice %arg5[%dma_start3A_313, %dma_start3A_319] : memref<64x80xi32, #tpu.memory_space<vmem>> -> memref<1x80xi32, #tpu.memory_space<vmem>>
    %dma_start3A_321 = tpu.memref_squeeze %dma_start3A_320 : memref<1x80xi32, #tpu.memory_space<vmem>> -> memref<80xi32, #tpu.memory_space<vmem>>
    %dma_start3A_322 = arith.constant 0 : i32
    %dma_start3A_323 = arith.constant 0 : i32
    %dma_start3A_324 = tpu.memref_slice %arg2[%dma_start3A_322, %dma_start3A_323] : memref<10000x128xf32, #tpu.memory_space<hbm>> -> memref<10000x128xf32, #tpu.memory_space<hbm>>
    tpu.enqueue_indirect_dma source(%dma_start3A_324 : memref<10000x128xf32, #tpu.memory_space<hbm>>) target(%dma_start3A_318 : memref<80x128xf32, #tpu.memory_space<vmem>>) offsets(%dma_start3A_321 : memref<80xi32, #tpu.memory_space<vmem>>) semaphore(%arg10 : memref<!tpu.dma_semaphore, #tpu.memory_space<semaphore_mem>>)
    %dma_wait3A_325 = arith.constant 58 : i32
    %dma_wait3A_326 = arith.constant 2 : i32
    %dma_wait3A_327 = arith.constant 0 : i32
    %dma_wait3A_328 = arith.constant 0 : i32
    %dma_wait3A_329 = tpu.memref_slice %arg7[%dma_wait3A_326, %dma_wait3A_327, %dma_wait3A_328] : memref<3x80x128xf32, #tpu.memory_space<vmem>> -> memref<1x80x128xf32, #tpu.memory_space<vmem>>
    %dma_wait3A_330 = tpu.memref_squeeze %dma_wait3A_329 : memref<1x80x128xf32, #tpu.memory_space<vmem>> -> memref<80x128xf32, #tpu.memory_space<vmem>>
    %dma_wait3A_331 = arith.constant 0 : i32
    %dma_wait3A_332 = tpu.memref_slice %arg5[%dma_wait3A_325, %dma_wait3A_331] : memref<64x80xi32, #tpu.memory_space<vmem>> -> memref<1x80xi32, #tpu.memory_space<vmem>>
    %dma_wait3A_333 = tpu.memref_squeeze %dma_wait3A_332 : memref<1x80xi32, #tpu.memory_space<vmem>> -> memref<80xi32, #tpu.memory_space<vmem>>
    %dma_wait3A_334 = arith.constant 0 : i32
    %dma_wait3A_335 = arith.constant 0 : i32
    %dma_wait3A_336 = tpu.memref_slice %arg2[%dma_wait3A_334, %dma_wait3A_335] : memref<10000x128xf32, #tpu.memory_space<hbm>> -> memref<10000x128xf32, #tpu.memory_space<hbm>>
    tpu.wait_indirect_dma semaphore(%arg11 : memref<!tpu.dma_semaphore, #tpu.memory_space<semaphore_mem>>) src(%dma_wait3A_336 : memref<10000x128xf32, #tpu.memory_space<hbm>>) dst(%dma_wait3A_330 : memref<80x128xf32, #tpu.memory_space<vmem>>)
    %dma_start3A_337 = arith.constant 2 : i32
    %dma_start3A_338 = arith.constant 58 : i32
    %dma_start3A_339 = arith.constant 0 : i32
    %dma_start3A_340 = arith.constant 0 : i32
    %dma_start3A_341 = tpu.memref_slice %arg7[%dma_start3A_337, %dma_start3A_339, %dma_start3A_340] : memref<3x80x128xf32, #tpu.memory_space<vmem>> -> memref<1x80x128xf32, #tpu.memory_space<vmem>>
    %dma_start3A_342 = tpu.memref_squeeze %dma_start3A_341 : memref<1x80x128xf32, #tpu.memory_space<vmem>> -> memref<80x128xf32, #tpu.memory_space<vmem>>
    %dma_start3A_343 = arith.constant 0 : i32
    %dma_start3A_344 = tpu.memref_slice %arg6[%dma_start3A_338, %dma_start3A_343] : memref<64x80xi32, #tpu.memory_space<vmem>> -> memref<1x80xi32, #tpu.memory_space<vmem>>
    %dma_start3A_345 = tpu.memref_squeeze %dma_start3A_344 : memref<1x80xi32, #tpu.memory_space<vmem>> -> memref<80xi32, #tpu.memory_space<vmem>>
    %dma_start3A_346 = arith.constant 0 : i32
    %dma_start3A_347 = arith.constant 0 : i32
    %dma_start3A_348 = tpu.memref_slice %arg8[%dma_start3A_346, %dma_start3A_347] : memref<10112x128xf32, #tpu.memory_space<vmem_shared>> -> memref<10112x128xf32, #tpu.memory_space<vmem_shared>>
    tpu.enqueue_indirect_dma source(%dma_start3A_342 : memref<80x128xf32, #tpu.memory_space<vmem>>) target(%dma_start3A_348 : memref<10112x128xf32, #tpu.memory_space<vmem_shared>>) offsets(%dma_start3A_345 : memref<80xi32, #tpu.memory_space<vmem>>) semaphore(%arg14 : memref<!tpu.dma_semaphore, #tpu.memory_space<semaphore_mem>>) {add = true}
    %dma_wait3A_349 = arith.constant 2 : i32
    %dma_wait3A_350 = arith.constant 58 : i32
    %dma_wait3A_351 = arith.constant 0 : i32
    %dma_wait3A_352 = arith.constant 0 : i32
    %dma_wait3A_353 = tpu.memref_slice %arg7[%dma_wait3A_349, %dma_wait3A_351, %dma_wait3A_352] : memref<3x80x128xf32, #tpu.memory_space<vmem>> -> memref<1x80x128xf32, #tpu.memory_space<vmem>>
    %dma_wait3A_354 = tpu.memref_squeeze %dma_wait3A_353 : memref<1x80x128xf32, #tpu.memory_space<vmem>> -> memref<80x128xf32, #tpu.memory_space<vmem>>
    %dma_wait3A_355 = arith.constant 0 : i32
    %dma_wait3A_356 = tpu.memref_slice %arg6[%dma_wait3A_350, %dma_wait3A_355] : memref<64x80xi32, #tpu.memory_space<vmem>> -> memref<1x80xi32, #tpu.memory_space<vmem>>
    %dma_wait3A_357 = tpu.memref_squeeze %dma_wait3A_356 : memref<1x80xi32, #tpu.memory_space<vmem>> -> memref<80xi32, #tpu.memory_space<vmem>>
    %dma_wait3A_358 = arith.constant 0 : i32
    %dma_wait3A_359 = arith.constant 0 : i32
    %dma_wait3A_360 = tpu.memref_slice %arg8[%dma_wait3A_358, %dma_wait3A_359] : memref<10112x128xf32, #tpu.memory_space<vmem_shared>> -> memref<10112x128xf32, #tpu.memory_space<vmem_shared>>
    tpu.wait_indirect_dma semaphore(%arg14 : memref<!tpu.dma_semaphore, #tpu.memory_space<semaphore_mem>>) src(%dma_wait3A_354 : memref<80x128xf32, #tpu.memory_space<vmem>>) dst(%dma_wait3A_360 : memref<10112x128xf32, #tpu.memory_space<vmem_shared>>)
    %dma_wait3A_361 = arith.constant 59 : i32
    %dma_wait3A_362 = arith.constant 0 : i32
    %dma_wait3A_363 = arith.constant 0 : i32
    %dma_wait3A_364 = arith.constant 0 : i32
    %dma_wait3A_365 = tpu.memref_slice %arg7[%dma_wait3A_362, %dma_wait3A_363, %dma_wait3A_364] : memref<3x80x128xf32, #tpu.memory_space<vmem>> -> memref<1x80x128xf32, #tpu.memory_space<vmem>>
    %dma_wait3A_366 = tpu.memref_squeeze %dma_wait3A_365 : memref<1x80x128xf32, #tpu.memory_space<vmem>> -> memref<80x128xf32, #tpu.memory_space<vmem>>
    %dma_wait3A_367 = arith.constant 0 : i32
    %dma_wait3A_368 = tpu.memref_slice %arg5[%dma_wait3A_361, %dma_wait3A_367] : memref<64x80xi32, #tpu.memory_space<vmem>> -> memref<1x80xi32, #tpu.memory_space<vmem>>
    %dma_wait3A_369 = tpu.memref_squeeze %dma_wait3A_368 : memref<1x80xi32, #tpu.memory_space<vmem>> -> memref<80xi32, #tpu.memory_space<vmem>>
    %dma_wait3A_370 = arith.constant 0 : i32
    %dma_wait3A_371 = arith.constant 0 : i32
    %dma_wait3A_372 = tpu.memref_slice %arg2[%dma_wait3A_370, %dma_wait3A_371] : memref<10000x128xf32, #tpu.memory_space<hbm>> -> memref<10000x128xf32, #tpu.memory_space<hbm>>
    tpu.wait_indirect_dma semaphore(%arg9 : memref<!tpu.dma_semaphore, #tpu.memory_space<semaphore_mem>>) src(%dma_wait3A_372 : memref<10000x128xf32, #tpu.memory_space<hbm>>) dst(%dma_wait3A_366 : memref<80x128xf32, #tpu.memory_space<vmem>>)
    %dma_start3A_373 = arith.constant 0 : i32
    %dma_start3A_374 = arith.constant 59 : i32
    %dma_start3A_375 = arith.constant 0 : i32
    %dma_start3A_376 = arith.constant 0 : i32
    %dma_start3A_377 = tpu.memref_slice %arg7[%dma_start3A_373, %dma_start3A_375, %dma_start3A_376] : memref<3x80x128xf32, #tpu.memory_space<vmem>> -> memref<1x80x128xf32, #tpu.memory_space<vmem>>
    %dma_start3A_378 = tpu.memref_squeeze %dma_start3A_377 : memref<1x80x128xf32, #tpu.memory_space<vmem>> -> memref<80x128xf32, #tpu.memory_space<vmem>>
    %dma_start3A_379 = arith.constant 0 : i32
    %dma_start3A_380 = tpu.memref_slice %arg6[%dma_start3A_374, %dma_start3A_379] : memref<64x80xi32, #tpu.memory_space<vmem>> -> memref<1x80xi32, #tpu.memory_space<vmem>>
    %dma_start3A_381 = tpu.memref_squeeze %dma_start3A_380 : memref<1x80xi32, #tpu.memory_space<vmem>> -> memref<80xi32, #tpu.memory_space<vmem>>
    %dma_start3A_382 = arith.constant 0 : i32
    %dma_start3A_383 = arith.constant 0 : i32
    %dma_start3A_384 = tpu.memref_slice %arg8[%dma_start3A_382, %dma_start3A_383] : memref<10112x128xf32, #tpu.memory_space<vmem_shared>> -> memref<10112x128xf32, #tpu.memory_space<vmem_shared>>
    tpu.enqueue_indirect_dma source(%dma_start3A_378 : memref<80x128xf32, #tpu.memory_space<vmem>>) target(%dma_start3A_384 : memref<10112x128xf32, #tpu.memory_space<vmem_shared>>) offsets(%dma_start3A_381 : memref<80xi32, #tpu.memory_space<vmem>>) semaphore(%arg12 : memref<!tpu.dma_semaphore, #tpu.memory_space<semaphore_mem>>) {add = true}
    %dma_wait3A_385 = arith.constant 0 : i32
    %dma_wait3A_386 = arith.constant 59 : i32
    %dma_wait3A_387 = arith.constant 0 : i32
    %dma_wait3A_388 = arith.constant 0 : i32
    %dma_wait3A_389 = tpu.memref_slice %arg7[%dma_wait3A_385, %dma_wait3A_387, %dma_wait3A_388] : memref<3x80x128xf32, #tpu.memory_space<vmem>> -> memref<1x80x128xf32, #tpu.memory_space<vmem>>
    %dma_wait3A_390 = tpu.memref_squeeze %dma_wait3A_389 : memref<1x80x128xf32, #tpu.memory_space<vmem>> -> memref<80x128xf32, #tpu.memory_space<vmem>>
    %dma_wait3A_391 = arith.constant 0 : i32
    %dma_wait3A_392 = tpu.memref_slice %arg6[%dma_wait3A_386, %dma_wait3A_391] : memref<64x80xi32, #tpu.memory_space<vmem>> -> memref<1x80xi32, #tpu.memory_space<vmem>>
    %dma_wait3A_393 = tpu.memref_squeeze %dma_wait3A_392 : memref<1x80xi32, #tpu.memory_space<vmem>> -> memref<80xi32, #tpu.memory_space<vmem>>
    %dma_wait3A_394 = arith.constant 0 : i32
    %dma_wait3A_395 = arith.constant 0 : i32
    %dma_wait3A_396 = tpu.memref_slice %arg8[%dma_wait3A_394, %dma_wait3A_395] : memref<10112x128xf32, #tpu.memory_space<vmem_shared>> -> memref<10112x128xf32, #tpu.memory_space<vmem_shared>>
    tpu.wait_indirect_dma semaphore(%arg12 : memref<!tpu.dma_semaphore, #tpu.memory_space<semaphore_mem>>) src(%dma_wait3A_390 : memref<80x128xf32, #tpu.memory_space<vmem>>) dst(%dma_wait3A_396 : memref<10112x128xf32, #tpu.memory_space<vmem_shared>>)
    %dma_wait3A_397 = arith.constant 60 : i32
    %dma_wait3A_398 = arith.constant 1 : i32
    %dma_wait3A_399 = arith.constant 0 : i32
    %dma_wait3A_400 = arith.constant 0 : i32
    %dma_wait3A_401 = tpu.memref_slice %arg7[%dma_wait3A_398, %dma_wait3A_399, %dma_wait3A_400] : memref<3x80x128xf32, #tpu.memory_space<vmem>> -> memref<1x80x128xf32, #tpu.memory_space<vmem>>
    %dma_wait3A_402 = tpu.memref_squeeze %dma_wait3A_401 : memref<1x80x128xf32, #tpu.memory_space<vmem>> -> memref<80x128xf32, #tpu.memory_space<vmem>>
    %dma_wait3A_403 = arith.constant 0 : i32
    %dma_wait3A_404 = tpu.memref_slice %arg5[%dma_wait3A_397, %dma_wait3A_403] : memref<64x80xi32, #tpu.memory_space<vmem>> -> memref<1x80xi32, #tpu.memory_space<vmem>>
    %dma_wait3A_405 = tpu.memref_squeeze %dma_wait3A_404 : memref<1x80xi32, #tpu.memory_space<vmem>> -> memref<80xi32, #tpu.memory_space<vmem>>
    %dma_wait3A_406 = arith.constant 0 : i32
    %dma_wait3A_407 = arith.constant 0 : i32
    %dma_wait3A_408 = tpu.memref_slice %arg2[%dma_wait3A_406, %dma_wait3A_407] : memref<10000x128xf32, #tpu.memory_space<hbm>> -> memref<10000x128xf32, #tpu.memory_space<hbm>>
    tpu.wait_indirect_dma semaphore(%arg10 : memref<!tpu.dma_semaphore, #tpu.memory_space<semaphore_mem>>) src(%dma_wait3A_408 : memref<10000x128xf32, #tpu.memory_space<hbm>>) dst(%dma_wait3A_402 : memref<80x128xf32, #tpu.memory_space<vmem>>)
    %dma_start3A_409 = arith.constant 1 : i32
    %dma_start3A_410 = arith.constant 60 : i32
    %dma_start3A_411 = arith.constant 0 : i32
    %dma_start3A_412 = arith.constant 0 : i32
    %dma_start3A_413 = tpu.memref_slice %arg7[%dma_start3A_409, %dma_start3A_411, %dma_start3A_412] : memref<3x80x128xf32, #tpu.memory_space<vmem>> -> memref<1x80x128xf32, #tpu.memory_space<vmem>>
    %dma_start3A_414 = tpu.memref_squeeze %dma_start3A_413 : memref<1x80x128xf32, #tpu.memory_space<vmem>> -> memref<80x128xf32, #tpu.memory_space<vmem>>
    %dma_start3A_415 = arith.constant 0 : i32
    %dma_start3A_416 = tpu.memref_slice %arg6[%dma_start3A_410, %dma_start3A_415] : memref<64x80xi32, #tpu.memory_space<vmem>> -> memref<1x80xi32, #tpu.memory_space<vmem>>
    %dma_start3A_417 = tpu.memref_squeeze %dma_start3A_416 : memref<1x80xi32, #tpu.memory_space<vmem>> -> memref<80xi32, #tpu.memory_space<vmem>>
    %dma_start3A_418 = arith.constant 0 : i32
    %dma_start3A_419 = arith.constant 0 : i32
    %dma_start3A_420 = tpu.memref_slice %arg8[%dma_start3A_418, %dma_start3A_419] : memref<10112x128xf32, #tpu.memory_space<vmem_shared>> -> memref<10112x128xf32, #tpu.memory_space<vmem_shared>>
    tpu.enqueue_indirect_dma source(%dma_start3A_414 : memref<80x128xf32, #tpu.memory_space<vmem>>) target(%dma_start3A_420 : memref<10112x128xf32, #tpu.memory_space<vmem_shared>>) offsets(%dma_start3A_417 : memref<80xi32, #tpu.memory_space<vmem>>) semaphore(%arg13 : memref<!tpu.dma_semaphore, #tpu.memory_space<semaphore_mem>>) {add = true}
    %dma_wait3A_421 = arith.constant 1 : i32
    %dma_wait3A_422 = arith.constant 60 : i32
    %dma_wait3A_423 = arith.constant 0 : i32
    %dma_wait3A_424 = arith.constant 0 : i32
    %dma_wait3A_425 = tpu.memref_slice %arg7[%dma_wait3A_421, %dma_wait3A_423, %dma_wait3A_424] : memref<3x80x128xf32, #tpu.memory_space<vmem>> -> memref<1x80x128xf32, #tpu.memory_space<vmem>>
    %dma_wait3A_426 = tpu.memref_squeeze %dma_wait3A_425 : memref<1x80x128xf32, #tpu.memory_space<vmem>> -> memref<80x128xf32, #tpu.memory_space<vmem>>
    %dma_wait3A_427 = arith.constant 0 : i32
    %dma_wait3A_428 = tpu.memref_slice %arg6[%dma_wait3A_422, %dma_wait3A_427] : memref<64x80xi32, #tpu.memory_space<vmem>> -> memref<1x80xi32, #tpu.memory_space<vmem>>
    %dma_wait3A_429 = tpu.memref_squeeze %dma_wait3A_428 : memref<1x80xi32, #tpu.memory_space<vmem>> -> memref<80xi32, #tpu.memory_space<vmem>>
    %dma_wait3A_430 = arith.constant 0 : i32
    %dma_wait3A_431 = arith.constant 0 : i32
    %dma_wait3A_432 = tpu.memref_slice %arg8[%dma_wait3A_430, %dma_wait3A_431] : memref<10112x128xf32, #tpu.memory_space<vmem_shared>> -> memref<10112x128xf32, #tpu.memory_space<vmem_shared>>
    tpu.wait_indirect_dma semaphore(%arg13 : memref<!tpu.dma_semaphore, #tpu.memory_space<semaphore_mem>>) src(%dma_wait3A_426 : memref<80x128xf32, #tpu.memory_space<vmem>>) dst(%dma_wait3A_432 : memref<10112x128xf32, #tpu.memory_space<vmem_shared>>)
    %barrier3A_433 = arith.constant 0 : index
    tpu.barrier barrier_id(%barrier3A_433)
    %mul3A_434 = arith.constant 632 : i32
    %mul3A_435 = arith.muli %arg1, %mul3A_434 : i32
    %mul3A_436 = arith.constant 632 : i32
    %mul3A_437 = arith.muli %arg1, %mul3A_436 : i32
    "tpu.region"() ({
      %run_scoped3A_438 = tpu.sem_alloc : memref<!tpu.dma_semaphore, #tpu.memory_space<semaphore_mem>>
      %dma_start3A_439 = arith.constant 0 : i32
      %dma_start3A_440 = arith.constant 0 : i32
      %dma_start3A_441 = tpu.memref_slice %arg4[%arg0, %dma_start3A_439, %dma_start3A_440] : memref<2x10112x128xf32, #tpu.memory_space<hbm>> -> memref<1x10112x128xf32, #tpu.memory_space<hbm>>
      %dma_start3A_442 = tpu.memref_squeeze %dma_start3A_441 : memref<1x10112x128xf32, #tpu.memory_space<hbm>> -> memref<10112x128xf32, #tpu.memory_space<hbm>>
      %dma_start3A_443 = arith.constant 0 : i32
      %dma_start3A_444 = tpu.memref_slice %dma_start3A_442[%mul3A_437, %dma_start3A_443] : memref<10112x128xf32, #tpu.memory_space<hbm>> -> memref<632x128xf32, #tpu.memory_space<hbm>>
      %dma_start3A_445 = arith.constant 0 : i32
      %dma_start3A_446 = tpu.memref_slice %arg8[%mul3A_435, %dma_start3A_445] : memref<10112x128xf32, #tpu.memory_space<vmem_shared>> -> memref<632x128xf32, #tpu.memory_space<vmem_shared>>
      tpu.enqueue_dma source(%dma_start3A_446 : memref<632x128xf32, #tpu.memory_space<vmem_shared>>) target(%dma_start3A_444 : memref<632x128xf32, #tpu.memory_space<hbm>>) target_semaphore(%run_scoped3A_438 : memref<!tpu.dma_semaphore, #tpu.memory_space<semaphore_mem>>)
      %dma_wait3A_447 = arith.constant 0 : i32
      %dma_wait3A_448 = arith.constant 0 : i32
      %dma_wait3A_449 = tpu.memref_slice %arg4[%arg0, %dma_wait3A_447, %dma_wait3A_448] : memref<2x10112x128xf32, #tpu.memory_space<hbm>> -> memref<1x10112x128xf32, #tpu.memory_space<hbm>>
      %dma_wait3A_450 = tpu.memref_squeeze %dma_wait3A_449 : memref<1x10112x128xf32, #tpu.memory_space<hbm>> -> memref<10112x128xf32, #tpu.memory_space<hbm>>
      %dma_wait3A_451 = arith.constant 0 : i32
      %dma_wait3A_452 = tpu.memref_slice %dma_wait3A_450[%mul3A_437, %dma_wait3A_451] : memref<10112x128xf32, #tpu.memory_space<hbm>> -> memref<632x128xf32, #tpu.memory_space<hbm>>
      %dma_wait3A_453 = arith.constant 0 : i32
      %dma_wait3A_454 = tpu.memref_slice %arg8[%mul3A_435, %dma_wait3A_453] : memref<10112x128xf32, #tpu.memory_space<vmem_shared>> -> memref<632x128xf32, #tpu.memory_space<vmem_shared>>
      tpu.wait_dma2 semaphore(%run_scoped3A_438 : memref<!tpu.dma_semaphore, #tpu.memory_space<semaphore_mem>>) src(%dma_wait3A_454 : memref<632x128xf32, #tpu.memory_space<vmem_shared>>) dst(%dma_wait3A_452 : memref<632x128xf32, #tpu.memory_space<hbm>>)
      tpu.yield
    }) : () -> ()
    return
  }
}

module attributes {stable_mosaic.version = 14 : i64} {
  func.func @_tc_body(%arg0: i32, %arg1: memref<2x5000x128xf32, #tpu.memory_space<vmem>>, %arg2: memref<128x128xf32, #tpu.memory_space<vmem>>, %arg3: memref<1x128xf32, #tpu.memory_space<vmem>>, %arg4: memref<5000x128xf32, #tpu.memory_space<vmem>>) attributes {dimension_semantics = [#tpu.dimension_semantics<arbitrary>], iteration_bounds = array<i64: 2>, scalar_prefetch = 0 : i64, scratch_operands = 0 : i64, tpu.core_type = #tpu.core_type<tc>, window_params = [{transform_indices = @transform_0, window_bounds = array<i64: 2, 5000, 128>}, {pipeline_mode = #tpu.pipeline_mode<synchronous>, transform_indices = @transform_1, window_bounds = array<i64: 128, 128>}, {pipeline_mode = #tpu.pipeline_mode<synchronous>, transform_indices = @transform_2, window_bounds = array<i64: 1, 128>}, {transform_indices = @transform_3, window_bounds = array<i64: 5000, 128>}]} {
    %get3A = arith.constant 0 : index
    %get3A_0 = arith.constant 0 : index
    %get3A_1 = arith.constant 0 : index
    %get3A_2 = vector.load %arg1[%get3A, %get3A_0, %get3A_1] : memref<2x5000x128xf32, #tpu.memory_space<vmem>>, vector<1x5000x128xf32>
    %get3A_3 = vector.shape_cast %get3A_2 : vector<1x5000x128xf32> to vector<5000x128xf32>
    %get3A_4 = arith.constant 1 : index
    %get3A_5 = arith.constant 0 : index
    %get3A_6 = arith.constant 0 : index
    %get3A_7 = vector.load %arg1[%get3A_4, %get3A_5, %get3A_6] : memref<2x5000x128xf32, #tpu.memory_space<vmem>>, vector<1x5000x128xf32>
    %get3A_8 = vector.shape_cast %get3A_7 : vector<1x5000x128xf32> to vector<5000x128xf32>
    %add3A = arith.addf %get3A_3, %get3A_8 : vector<5000x128xf32>
    %get3A_9 = arith.constant 0 : index
    %get3A_10 = arith.constant 0 : index
    %get3A_11 = vector.load %arg2[%get3A_9, %get3A_10] : memref<128x128xf32, #tpu.memory_space<vmem>>, vector<128x128xf32>
    %dot_general3A = arith.constant dense<0.000000e+00> : vector<5000x128xf32>
    %dot_general3A_12 = tpu.matmul %add3A, %get3A_11, %dot_general3A {dimension_numbers = #tpu.dot_dimension_numbers<[1], [0], [0], [1], [0, 0, 1, 1], [], []>, transpose_lhs_hint = false} : vector<5000x128xf32>, vector<128x128xf32>, vector<5000x128xf32> -> vector<5000x128xf32>
    %get3A_13 = arith.constant 0 : index
    %get3A_14 = arith.constant 0 : index
    %get3A_15 = vector.load %arg3[%get3A_13, %get3A_14] : memref<1x128xf32, #tpu.memory_space<vmem>>, vector<1x128xf32>
    %add3A_16 = vector.broadcast %get3A_15 : vector<1x128xf32> to vector<5000x128xf32>
    %add3A_17 = arith.addf %dot_general3A_12, %add3A_16 : vector<5000x128xf32>
    %swap3A = arith.constant 0 : index
    %swap3A_18 = arith.constant 0 : index
    %swap3A_19 = vector.load %arg4[%swap3A, %swap3A_18] : memref<5000x128xf32, #tpu.memory_space<vmem>>, vector<5000x128xf32>
    tpu.vector_store %arg4[%swap3A, %swap3A_18], %add3A_17 {strides = array<i32>} : memref<5000x128xf32, #tpu.memory_space<vmem>>, vector<5000x128xf32>,
    return
  }
  func.func @transform_0(%arg0: i32) -> (i32, i32, i32) {
    %c0_i32 = arith.constant 0 : i32
    %c0_i32_0 = arith.constant 0 : i32
    %c0_i32_1 = arith.constant 0 : i32
    return %c0_i32, %arg0, %c0_i32_0 : i32, i32, i32
  }
  func.func @transform_1(%arg0: i32) -> (i32, i32) {
    %c0_i32 = arith.constant 0 : i32
    %c0_i32_0 = arith.constant 0 : i32
    %c0_i32_1 = arith.constant 0 : i32
    return %c0_i32, %c0_i32_0 : i32, i32
  }
  func.func @transform_2(%arg0: i32) -> (i32, i32) {
    %c0_i32 = arith.constant 0 : i32
    %c0_i32_0 = arith.constant 0 : i32
    %c0_i32_1 = arith.constant 0 : i32
    return %c0_i32, %c0_i32_0 : i32, i32
  }
  func.func @transform_3(%arg0: i32) -> (i32, i32) {
    %c0_i32 = arith.constant 0 : i32
    %c0_i32_0 = arith.constant 0 : i32
    return %arg0, %c0_i32 : i32, i32
  }
}

</mosaic_0001>

<sc_bundles>
// kernel: kernel.4.cloned.1.call-start
scs
__scs_entry_jumppad:
0x0: {  	(pc) =	sbr.rel $0x88, $3  }
0x1: {  	(tag) =	ssettag $0x0;
	lr =	simm.s32 $0x1  }
0x2: {  	[smem:$0x3F9D] =	sst lr;
	_ =	strace $0xD0000000  }
0x3: {  	_ = 	snop  }
0x4: {  	_ = 	snop  }
0x5: {  	_ = 	snop  }
0x6: {  	_ = 	snop  }
0x7: {  	_ = 	snop  }
__scs_overlays_trampoline_lowered:
0x8: {  	[smem:$0x3FAC] =	sst s0  }
0x9: {  	[smem:$0x3FAD] =	sst s1  }
0xa: {  	[smem:$0x3FAE] =	sst s2  }
0xb: {  	[smem:$0x3FAF] =	sst s3  }
0xc: {  	[smem:$0x3FB0] =	sst s4  }
0xd: {  	[smem:$0x3FB1] =	sst s5  }
0xe: {  	[smem:$0x3FB2] =	sst s6  }
0xf: {  	[smem:$0x3FB3] =	sst s7  }
0x10: {  	[smem:$0x3FB4] =	sst s8  }
0x11: {  	[smem:$0x3FB5] =	sst s9;
	s0 =	simm.s32 @!p0 $0x0  }
0x12: {  	s1 =	sld [smem:$0x3F9B];
	s0 =	simm.s32 @p0 $0x1  }
0x13: {  	[smem:$0x3FB6] =	sst s0;
	s0 =	simm.s32 @!p1 $0x0  }
0x14: {  	s2 =	sld [smem:$0x3F9A];
	s0 =	simm.s32 @p1 $0x1  }
0x15: {  	[smem:$0x3FB7] =	sst s0;
	s0 =	simm.s32 @!p2 $0x0  }
0x16: {  	s3 =	sld [smem:$0x3FDB];
	s0 =	simm.s32 @p2 $0x1  }
0x17: {  	s4 =	simm.s32 $0x1BF5;
	[smem:$0x3FB9] =	sst s0  }
0x18: {  	s0 =	sld [smem:$0x3F9C];
	_ =	swait.ge [sflag:s4], $0x0  }
0x19: {  	s7 =	sld [smem:$0x3F9D]  }
0x1a: {  	s8 =	sadd.s32 $0xFFFFE003, lr  }
0x1b: {  	s9 =	sadd.s32 $0xFFFFFEF7, lr;
	s5 =	simm.s32 $0xFFFFFFFF;
	p2 =	slt.u32 s8, $0xFFFFF086  }
0x1c: {  	p1 =	slt.u32 s9, $0xF7A;
	s5 =	simm.s32 @!p2 $0x0  }
0x1d: {  	s5 =	simm.s32 @p1 $0x1;
	p0 =	seq.s32 s7, s2  }
0x1e: {  	s7 =	smul.u32 @!p0 $0xF7A, s2;
	p2 =	seq.s32 @!p0 s5, $0x0  }
0x1f: {  	s9 =	smul.u32 $0xF7A, s1;
	s8 =	simm.s32 @!p0 $0x1BF5;
	p2 =	por !p2, p0  }
0x20: {  	[sflag:s8] =	ssyncset.s32 @!p0 $0xFFFFF086;
	s6 =	sadd.s32 @!p0 s3, s7;
	s7 =	simm.s32 @!p0 $0x108  }
0x21: {  	s3 =	sadd.s32 s3, s9;
	s6 =	sadd.s32 @!p0 $0x88, s6;
	s7 =	simm.s32 @p2 $0x1082  }
0x22: {  	[simem:s7], [sflag:s8] =	dma.local @!p0 [hbm:s6], $0xF7A  }
0x23: {  	s9 =	sor.u32 $0xD0000000, s2;
	s6 =	simm.s32 $0x108;
	_ =	swait.ge @!p0 [sflag:s8], $0x0  }
0x24: {  	s3 =	sadd.s32 $0x88, s3;
	s6 =	simm.s32 @!p1 $0x1082;
	[sflag:s4] =	ssyncset.s32 $0xFFFFF086  }
0x25: {  	[simem:s6], [sflag:s4] =	dma.local [hbm:s3], $0xF7A  }
0x26: {  	[smem:$0x3F9D] =	sst s1;
	(tag) =	ssettag s2;
	_ =	strace s9  }
0x27: {  	s1 =	sld [smem:$0x3FAD]  }
0x28: {  	s2 =	sld [smem:$0x3FAE]  }
0x29: {  	s4 =	sld [smem:$0x3FB0]  }
0x2a: {  	p0 =	seq.s32 s5, $0x0;
	s5 =	sld [smem:$0x3FB1]  }
0x2b: {  	s6 =	sld [smem:$0x3FB2]  }
0x2c: {  	s7 =	sld [smem:$0x3FB3]  }
0x2d: {  	s3 =	simm.s32 $0x108;
	s8 =	sld [smem:$0x3FB4]  }
0x2e: {  	s3 =	simm.s32 @!p0 $0x1082;
	s9 =	sld [smem:$0x3FB5]  }
0x2f: {  	lr =	sadd.s32 s0, s3;
	s0 =	sld [smem:$0x3FAC]  }
0x30: {  	s3 =	sld [smem:$0x3FAF]  }
0x31: {  	[smem:$0x3FB8] =	sst s10  }
0x32: {  	s10 =	sld [smem:$0x3FB6];
	_ =	sdelay $0x3  }
0x33: {  	p0 =	seq.s32 s10, $0x1;
	s10 =	sld [smem:$0x3FB8];
	_ =	sdelay $0x3  }
0x34: {  	[smem:$0x3FB8] =	sst s10  }
0x35: {  	s10 =	sld [smem:$0x3FB7];
	_ =	sdelay $0x3  }
0x36: {  	p1 =	seq.s32 s10, $0x1;
	s10 =	sld [smem:$0x3FB8];
	_ =	sdelay $0x3  }
0x37: {  	[smem:$0x3FB8] =	sst s10  }
0x38: {  	s10 =	sld [smem:$0x3FB9]  }
0x39: {  	_ = 	snop;
	(pc) =	sbr.ind lr, $3  }
0x3a: {  	_ = 	snop  }
0x3b: {  	_ = 	snop  }
0x3c: {  	p2 =	seq.s32 s10, $0x1;
	s10 =	sld [smem:$0x3FB8]  }
0x3d: {  	_ =	shalt  }
0x3e: {  	_ =	shalt  }
0x3f: {  	_ =	shalt  }
0x40: {  	_ =	shalt  }
0x41: {  	_ =	shalt  }
0x42: {  	_ =	shalt  }
0x43: {  	_ =	shalt  }
0x44: {  	_ =	shalt  }
0x45: {  	_ =	shalt  }
0x46: {  	_ =	shalt  }
0x47: {  	_ =	shalt  }
0x48: {  	_ =	shalt  }
0x49: {  	_ =	shalt  }
0x4a: {  	_ =	shalt  }
0x4b: {  	_ =	shalt  }
0x4c: {  	_ =	shalt  }
0x4d: {  	_ =	shalt  }
0x4e: {  	_ =	shalt  }
0x4f: {  	_ =	shalt  }
0x50: {  	_ =	shalt  }
0x51: {  	_ =	shalt  }
0x52: {  	_ =	shalt  }
0x53: {  	_ =	shalt  }
0x54: {  	_ =	shalt  }
0x55: {  	_ =	shalt  }
0x56: {  	_ =	shalt  }
0x57: {  	_ =	shalt  }
0x58: {  	_ =	shalt  }
0x59: {  	_ =	shalt  }
0x5a: {  	_ =	shalt  }
0x5b: {  	_ =	shalt  }
0x5c: {  	_ =	shalt  }
0x5d: {  	_ =	shalt  }
0x5e: {  	_ =	shalt  }
0x5f: {  	_ =	shalt  }
0x60: {  	_ =	shalt  }
0x61: {  	_ =	shalt  }
0x62: {  	_ =	shalt  }
0x63: {  	_ =	shalt  }
0x64: {  	_ =	shalt  }
0x65: {  	_ =	shalt  }
0x66: {  	_ =	shalt  }
0x67: {  	_ =	shalt  }
0x68: {  	_ =	shalt  }
0x69: {  	_ =	shalt  }
0x6a: {  	_ =	shalt  }
0x6b: {  	_ =	shalt  }
0x6c: {  	_ =	shalt  }
0x6d: {  	_ =	shalt  }
0x6e: {  	_ =	shalt  }
0x6f: {  	_ =	shalt  }
0x70: {  	_ =	shalt  }
0x71: {  	_ =	shalt  }
0x72: {  	_ =	shalt  }
0x73: {  	_ =	shalt  }
0x74: {  	_ =	shalt  }
0x75: {  	_ =	shalt  }
0x76: {  	_ =	shalt  }
0x77: {  	_ =	shalt  }
0x78: {  	_ =	shalt  }
0x79: {  	_ =	shalt  }
0x7a: {  	_ =	shalt  }
0x7b: {  	_ =	shalt  }
0x7c: {  	_ =	shalt  }
0x7d: {  	_ =	shalt  }
0x7e: {  	_ =	shalt  }
0x7f: {  	_ =	shalt  }
0x80: {  	_ =	shalt  }
0x81: {  	_ =	shalt  }
0x82: {  	_ =	shalt  }
0x83: {  	_ =	shalt  }
0x84: {  	_ =	shalt  }
0x85: {  	_ =	shalt  }
0x86: {  	_ =	shalt  }
0x87: {  	_ =	shalt  }
.Lfunc_end0:
.L_simem_size_0:
called_computation_lowered:
.L_overlay_start_0:
0x88: {  	s2 =	sld [smem:$0x3FD9]  }
0x89: {  	s3 =	sld [smem:$0x3FFE];
	_ =	sdelay $0x1  }
0x8a: {  	s1 =	srdreg.scid  }
0x8b: {  	s0 =	sand.u32 $0x1, s1  }
0x8c: {  	s17 =	sshll.u32 s0, $0xA;
	s2 =	sadd.s32 s3, s2  }
0x8d: {  	s2 =	sadd.s32 s2, s17  }
0x8e: {  	[smem:$0x3FC4] =	sst s2  }
0x8f: {  	_ = 	snop  }
0x90: {  	s2 =	sld [smem:$0x3FC9]  }
0x91: {  	s18 =	sld [smem:$0x3FD0];
	(tm) =	ssettm $0x1  }
0x92: {  	s4 =	sld [smem:$0x3FFB];
	_ =	sdelay $0x3  }
0x93: {  	_ =	strace s4  }
0x94: {  	s4 =	sld [smem:$0x3FFC];
	_ =	sdelay $0x3  }
0x95: {  	_ =	strace s4  }
0x96: {  	s4 =	sld [smem:$0x3FFD];
	_ =	sdelay $0x3  }
0x97: {  	_ =	strace s4  }
0x98: {  	_ =	strace $0x8FFFFFFF  }
0x99: {  	s19 =	sld [smem:$0x3FDB];
	_ =	sdelay $0x1  }
0x9a: {  	s5 =	simm.s32 $_scs_section_size  }
0x9b: {  	s6 =	simm.s32 $_size__tile_overlayer_lowered;
	s7 =	simm.s32 $_tile_overlayer_lowered  }
0x9c: {  	s22 =	simm.s32 $0x1BFF;
	s21 =	sshll.u32 s7, $0x1;
	s4 =	sadd.s32 s5, s19  }
0x9d: {  	s8 =	simm.s32 $0x0;
	s20 =	sshll.u32 s6, $0x1;
	s6 =	sadd.s32 s21, s4  }
0x9e: {  	[timem:s8], [sflag:s22] =	dma.local [hbm:s6], s20  }
0x9f: {  	_ =	swait.ge [sflag:s22], s20  }
0xa0: {  	s5 =	ssub.s32 $0x0, s20;
	[sflag:s22] =	ssyncset.done $0x0  }
0xa1: {  	[sflag:s22] =	ssyncadd.s32 s5;
	_ =	sdelay $0x1  }
0xa2: {  	s23 =	simm.s32 $0x1B8B  }
0xa3: {  	_ =	swait.ge [sflag:s23], $0x1  }
0xa4: {  	[sflag:s23] =	ssyncset.done $0x0  }
0xa5: {  	s25 =	simm.s32 $0x1B8E;
	s24 =	sld [smem:$0x3FFE];
	[sflag:s23] =	ssyncadd.s32 $0xFFFFFFFF  }
0xa6: {  	s26 =	simm.s32 $execute0_lowered;
	[smem:$0x3FD2] =	sst s25  }
0xa7: {  	s6 =	sshll.u32 s26, $0x1;
	_ =	strace $0x80000046;
	[dreg:$0x1] =	wrdreg $0xFFFFFFFF  }
0xa8: {  	s28 =	simm.s32 $_size_execute0_lowered;
	s4 =	sadd.s32 s4, s6;
	[dreg:$0x0] =	wrdreg $0x0  }
0xa9: {  	s6 =	sshll.u32 s28, $0x1;
	[dreg:$0x2] =	wrdreg s4  }
0xaa: {  	[dreg:$0x3] =	wrdreg s6  }
0xab: {  	[dreg:$0x4] =	wrdreg $0xC0  }
0xac: {  	_ =	task [dreg:s8], $0x5FFFF  }
0xad: {  	[dreg:$0x1] =	wrdreg $0xFFFFFFFF  }
0xae: {  	[dreg:$0x0] =	wrdreg $0x60  }
0xaf: {  	[dreg:$0x2] =	wrdreg s2  }
0xb0: {  	[dreg:$0x3] =	wrdreg s18  }
0xb1: {  	[dreg:$0x4] =	wrdreg s24  }
0xb2: {  	[dreg:$0x5] =	wrdreg $0xB8000  }
0xb3: {  	[dreg:$0x6] =	wrdreg $0x9  }
0xb4: {  	_ =	task.clear_ibuf [dreg:s8], $0x7FFFF;
	_ =	strace $0x90000046  }
0xb5: {  	s29 =	simm.s32 $0x9;
	_ =	strace $0x80000048  }
0xb6: {  	_ =	swait.ge [sflag:s29], $0x1  }
0xb7: {  	[sflag:s29] =	ssyncadd.s32 $0xFFFFFFFF  }
0xb8: {  	_ =	strace $0x90000048  }
0xb9: {  	_ =	sfence  }
0xba: {  	s30 =	sld [smem:$0x0];
	_ =	sdelay $0x2  }
0xbb: {  	s31 =	sshll.u32 s1, $0xD;
	s1 =	sshrl.u32 s1, $0x2  }
0xbc: {  	s3 =	sand.u32 $0x4000, s31;
	s1 =	sadd.s32 s1, s30  }
0xbd: {  	s0 =	sor.u32 s3, s0;
	s1 =	sshll.u32 s1, $0x11  }
0xbe: {  	s0 =	sor.u32 s1, s0  }
0xbf: {  	s0 =	sadd.s32 $0x8F2B, s0  }
0xc0: {  	[sflag:s0] =	ssyncadd.remote.s32 $0x1  }
0xc1: {  	_ =	sfence.sel $0xFFFF  }
0xc2: {  	[dreg:$0x0] =	wrdreg $0xFFFFFFFF;
	(pc) =	sbr.abs _section_cstart, $3  }
0xc3: {  	[dreg:$0x1] =	wrdreg $0xFFFFFFFF  }
0xc4: {  	_ =	task.clear_ibuf [dreg:s8], $0x2FFFF;
	_ =	strace $0x9FFFFFFF  }
0xc5: {  	(tm) =	ssettm $0x7FFFFFFF  }
tec
execute0_lowered:
.L_overlay_start_1:
0x0: {  	(tag) =	ssettag $0x1  }
0x1: {  	s1 =	rddreg [dreg:$0x0]  }
0x2: {  	s0 =	rddreg [dreg:$0x1]  }
0x3: {  	s3 =	rddreg [dreg:$0x2]  }
0x4: {  	s2 =	rddreg [dreg:$0x3]  }
0x5: {  	s4 =	srdreg.scid;
	s6 =	simm.s32 $0x0;
	s9 =	stileid.u32  }
0x6: {  	s16 =	simm.s32 $0x7;
	s18 =	simm.s32 $0x2000;
	s19 =	simm.s32 $0x4000  }
0x7: {  	s20 =	simm.s32 $0x50;
	s21 =	simm.s32 $0x80;
	s28 =	simm.s32 $0x4  }
0x8: {  	s29 =	simm.s32 $0x2;
	s30 =	simm.s32 $0x5;
	s7 =	smul.u32 $0x4F000, s9  }
0x9: {  	s31 =	simm.s32 $0x3;
	s4 =	sand.u32 $0x1, s4;
	s26 =	smul.u32 $0x2780, s9  }
0xa: {  	[smem:$0x7FF] =	sst s6;
	s8 =	sshll.u32 s9, $0xB;
	s5 =	smul.u32 $0x27800, s4  }
0xb: {  	s22 =	ssub.s32 $0x2, s4;
	_ =	strace $0x80000047;
	s4 =	sshll.u32 s4, $0xF  }
0xc: {  	s23 =	sshrl.u32 s22, $0x1;
	s7 =	sshrl.u32 s7, $0x2;
	s4 =	sor.u32 s8, s4  }
0xd: {  	s3 =	sadd.s32 s5, s3;
	s15 =	ssub.s32 s22, s23;
	s5 =	sadd.s32 s7, s2  }
0xe: {  	s6 =	sadd.s32 s0, s4;
	s0 =	sadd.s32 $0x10000, s0;
	s22 =	simm.s32 $0x6800  }
0xf: {  	s23 =	simm.s32 $0x100;
	s7 =	sadd.s32 $0x2800, s5;
	s24 =	sadd.s32 $0x5000, s5  }
0x10: {  	s25 =	sadd.s32 $0x7800, s5;
	s10 =	sadd.s32 $0xA000, s5;
	s11 =	sadd.s32 $0xC800, s5  }
0x11: {  	s12 =	sadd.s32 $0xF000, s5;
	s13 =	sadd.s32 $0x11800, s5;
	s14 =	sadd.s32 $0x400, s6  }
0x12: {  	s3 =	sadd.s32 $0xA00, s3;
	s15 =	smax.u32 s15, $0x1;
	[dreg:$0x5] =	wrdreg s7  }
0x13: {  	s17 =	sadd.s32 s4, s0;
	s0 =	simm.s32 $0x6;
	[dreg:$0x6] =	wrdreg s24  }
0x14: {  	s4 =	simm.s32 $0x0;
	[dreg:$0x7] =	wrdreg s25;
	s24 =	sadd.s32 s26, s3  }
0x15: {  	v0 =	vimm.f32 $0.0e+00;
	s25 =	simm.s32 $0x9000;
	s26 =	simm.s32 $0x1;
	s3 =	simm.s32 $0x3E00  }
.LBB2_1:
0x16: {  	s7 =	simm.s32 $0x0  }
0x17: {  	[tilespmem:s7], [sflag:$0x7] =	stream.linear.gather [hbm4b:s6+s7], $0x2000, $0x38;
	[tilespmem:$0x1F400] =	vst v63  }
0x18: {  	_ =	swait.ge [sflag:s16], $0x2000  }
0x19: {  	[sflag:s16] =	ssyncset.done $0x0  }
0x1a: {  	[sflag:s16] =	ssyncadd.s32 $0xFFFFE000  }
0x1b: {  	[tilespmem:s18], [sflag:$0x7] =	stream.linear.gather [hbm4b:s17+s7], $0x2000, $0x38;
	[tilespmem:$0x1F400] =	vst v63  }
0x1c: {  	_ =	swait.ge [sflag:s16], $0x2000  }
0x1d: {  	[sflag:s16] =	ssyncset.done $0x0  }
0x1e: {  	s8 =	simm.s32 $0x200;
	s7 =	simm.s32 $0x0;
	[sflag:s16] =	ssyncadd.s32 $0xFFFFE000  }
.LBB2_2:
0x1f: {  	p0 =	sne.s32 s8, $0x9E00;
	[tilespmem:s7+$0x4070] =	vst v0  }
0x20: {  	[tilespmem:s7+$0x4000] =	vst v0  }
0x21: {  	[tilespmem:s7+$0x4010] =	vst v0  }
.Ltmp0:
0x22: {  	[tilespmem:s7+$0x4020] =	vst v0;
	(pc) =	sbr.rel @p0 .LBB2_2-.Ltmp0, $4  }
0x23: {  	[tilespmem:s7+$0x4030] =	vst v0  }
0x24: {  	[tilespmem:s7+$0x4040] =	vst v0  }
0x25: {  	[tilespmem:s7+$0x4050] =	vst v0  }
0x26: {  	[tilespmem:s7+$0x4060] =	vst v0;
	s7 =	sshra.s32 s8, $0x2;
	s8 =	sadd.s32 $0x200, s8  }
0x27: {  	[tilespmem:s7+$0x4070] =	vst v0  }
0x28: {  	[tilespmem:s7+$0x4000] =	vst v0  }
0x29: {  	[tilespmem:s7+$0x4010] =	vst v0  }
0x2a: {  	[tilespmem:s7+$0x4020] =	vst v0  }
0x2b: {  	[tilespmem:s7+$0x4030] =	vst v0  }
0x2c: {  	[tilespmem:s7+$0x4040] =	vst v0  }
0x2d: {  	[tilespmem:s7+$0x4050] =	vst v0  }
0x2e: {  	[tilespmem:s7+$0x4060] =	vst v0  }
0x2f: {  	[spmem:s5] =	stream.linear.scatter [tilespmem:s19], [sflag:$0x7], $0x2800, $0x38;
	[tilespmem:$0x1F400] =	vst v63  }
0x30: {  	_ =	swait.ge [sflag:s16], $0x2800  }
0x31: {  	[sflag:s16] =	ssyncset.done $0x0  }
0x32: {  	s9 =	rddreg [dreg:$0x5];
	[sflag:s16] =	ssyncadd.s32 $0xFFFFD800  }
0x33: {  	[spmem:s9] =	stream.linear.scatter [tilespmem:s19], [sflag:$0x7], $0x2800, $0x38;
	[tilespmem:$0x1F400] =	vst v63  }
0x34: {  	_ =	swait.ge [sflag:s16], $0x2800  }
0x35: {  	[sflag:s16] =	ssyncset.done $0x0  }
0x36: {  	s8 =	rddreg [dreg:$0x6];
	[sflag:s16] =	ssyncadd.s32 $0xFFFFD800  }
0x37: {  	[spmem:s8] =	stream.linear.scatter [tilespmem:s19], [sflag:$0x7], $0x2800, $0x38;
	[tilespmem:$0x1F400] =	vst v63  }
0x38: {  	_ =	swait.ge [sflag:s16], $0x2800  }
0x39: {  	[sflag:s16] =	ssyncset.done $0x0  }
0x3a: {  	s9 =	rddreg [dreg:$0x7];
	[sflag:s16] =	ssyncadd.s32 $0xFFFFD800  }
0x3b: {  	[spmem:s9] =	stream.linear.scatter [tilespmem:s19], [sflag:$0x7], $0x2800, $0x38;
	[tilespmem:$0x1F400] =	vst v63  }
0x3c: {  	_ =	swait.ge [sflag:s16], $0x2800  }
0x3d: {  	[sflag:s16] =	ssyncset.done $0x0  }
0x3e: {  	[sflag:s16] =	ssyncadd.s32 $0xFFFFD800  }
0x3f: {  	[spmem:s10] =	stream.linear.scatter [tilespmem:s19], [sflag:$0x7], $0x2800, $0x38;
	[tilespmem:$0x1F400] =	vst v63  }
0x40: {  	_ =	swait.ge [sflag:s16], $0x2800  }
0x41: {  	[sflag:s16] =	ssyncset.done $0x0  }
0x42: {  	[sflag:s16] =	ssyncadd.s32 $0xFFFFD800  }
0x43: {  	[spmem:s11] =	stream.linear.scatter [tilespmem:s19], [sflag:$0x7], $0x2800, $0x38;
	[tilespmem:$0x1F400] =	vst v63  }
0x44: {  	_ =	swait.ge [sflag:s16], $0x2800  }
0x45: {  	[sflag:s16] =	ssyncset.done $0x0  }
0x46: {  	[sflag:s16] =	ssyncadd.s32 $0xFFFFD800  }
0x47: {  	[spmem:s12] =	stream.linear.scatter [tilespmem:s19], [sflag:$0x7], $0x2800, $0x38;
	[tilespmem:$0x1F400] =	vst v63  }
0x48: {  	_ =	swait.ge [sflag:s16], $0x2800  }
0x49: {  	[sflag:s16] =	ssyncset.done $0x0  }
0x4a: {  	[sflag:s16] =	ssyncadd.s32 $0xFFFFD800  }
0x4b: {  	[spmem:s13] =	stream.linear.scatter [tilespmem:s19], [sflag:$0x7], $0x2400, $0x38;
	[tilespmem:$0x1F400] =	vst v63  }
0x4c: {  	_ =	swait.ge [sflag:s16], $0x2400  }
0x4d: {  	[sflag:s16] =	ssyncset.done $0x0  }
0x4e: {  	[sflag:s16] =	ssyncadd.s32 $0xFFFFDC00  }
0x4f: {  	s8 =	simm.s32 $0x0;
	[bflag:$0x0] =	sbarrier.arrive $0xFFFF  }
0x50: {  	[tilespmem:s19], [sflag:$0x1] =	stream.indirect.gather [hbm4b:s1+s20], $0x80, s8, s20, $0xb8;
	[tilespmem:$0x1F400] =	vst v63  }
0x51: {  	_ = 	snop  }
0x52: {  	[tilespmem:s22], [sflag:$0x2] =	stream.indirect.gather [hbm4b:s1+s20], $0x80, s21, s20, $0xb8;
	[tilespmem:$0x1F400] =	vst v63  }
0x53: {  	_ = 	snop  }
0x54: {  	[tilespmem:s25], [sflag:$0x3] =	stream.indirect.gather [hbm4b:s1+s20], $0x80, s23, s20, $0xb8;
	[tilespmem:$0x1F400] =	vst v63  }
0x55: {  	_ =	swait.ge [sflag:s26], $0x2800  }
0x56: {  	[sflag:s26] =	ssyncset.done $0x0  }
0x57: {  	s9 =	simm.s32 $0x2000;
	[sflag:s26] =	ssyncadd.s32 $0xFFFFD800  }
0x58: {  	[spmem:s2] =	stream.indirect.scatter.add.f32 [tilespmem:s19], [sflag:$0x4], $0x80, s9, s20, $0xb8;
	[tilespmem:$0x1F400] =	vst v63  }
0x59: {  	_ =	swait.ge [sflag:s28], $0x2800  }
0x5a: {  	[sflag:s28] =	ssyncset.done $0x0  }
0x5b: {  	s8 =	simm.s32 $0x180;
	[sflag:s28] =	ssyncadd.s32 $0xFFFFD800  }
0x5c: {  	[tilespmem:s19], [sflag:$0x1] =	stream.indirect.gather [hbm4b:s1+s20], $0x80, s8, s20, $0xb8;
	[tilespmem:$0x1F400] =	vst v63  }
0x5d: {  	_ =	swait.ge [sflag:s29], $0x2800  }
0x5e: {  	[sflag:s29] =	ssyncset.done $0x0  }
0x5f: {  	s9 =	simm.s32 $0x2080;
	[sflag:s29] =	ssyncadd.s32 $0xFFFFD800  }
0x60: {  	[spmem:s2] =	stream.indirect.scatter.add.f32 [tilespmem:s22], [sflag:$0x5], $0x80, s9, s20, $0xb8;
	[tilespmem:$0x1F400] =	vst v63  }
0x61: {  	_ =	swait.ge [sflag:s30], $0x2800  }
0x62: {  	[sflag:s30] =	ssyncset.done $0x0  }
0x63: {  	s8 =	simm.s32 $0x200;
	[sflag:s30] =	ssyncadd.s32 $0xFFFFD800  }
0x64: {  	[tilespmem:s22], [sflag:$0x2] =	stream.indirect.gather [hbm4b:s1+s20], $0x80, s8, s20, $0xb8;
	[tilespmem:$0x1F400] =	vst v63  }
0x65: {  	_ =	swait.ge [sflag:s31], $0x2800  }
0x66: {  	[sflag:s31] =	ssyncset.done $0x0  }
0x67: {  	s9 =	simm.s32 $0x2100;
	[sflag:s31] =	ssyncadd.s32 $0xFFFFD800  }
0x68: {  	[spmem:s2] =	stream.indirect.scatter.add.f32 [tilespmem:s25], [sflag:$0x6], $0x80, s9, s20, $0xb8;
	[tilespmem:$0x1F400] =	vst v63  }
0x69: {  	_ =	swait.ge [sflag:s0], $0x2800  }
0x6a: {  	[sflag:s0] =	ssyncset.done $0x0  }
0x6b: {  	s7 =	simm.s32 $0x600;
	s8 =	simm.s32 $0x280;
	[sflag:s0] =	ssyncadd.s32 $0xFFFFD800  }
.LBB2_4:
0x6c: {  	[tilespmem:s25], [sflag:$0x3] =	stream.indirect.gather [hbm4b:s1+s20], $0x80, s8, s20, $0xb8;
	[tilespmem:$0x1F400] =	vst v63  }
0x6d: {  	s8 =	smov.u32 s7  }
0x6e: {  	p0 =	sne.s32 s7, $0x7200;
	s7 =	sadd.s32 $0x600, s7;
	_ =	swait.ge [sflag:s26], $0x2800  }
0x6f: {  	s8 =	sshra.s32 s8, $0x2;
	[sflag:s26] =	ssyncset.done $0x0  }
0x70: {  	s9 =	sadd.s32 $0x2000, s8;
	[sflag:s26] =	ssyncadd.s32 $0xFFFFD800  }
0x71: {  	[spmem:s2] =	stream.indirect.scatter.add.f32 [tilespmem:s19], [sflag:$0x4], $0x80, s9, s20, $0xb8;
	[tilespmem:$0x1F400] =	vst v63  }
0x72: {  	_ =	swait.ge [sflag:s28], $0x2800  }
0x73: {  	[sflag:s28] =	ssyncset.done $0x0  }
0x74: {  	s9 =	sadd.s32 $0x180, s8;
	[sflag:s28] =	ssyncadd.s32 $0xFFFFD800  }
0x75: {  	[tilespmem:s19], [sflag:$0x1] =	stream.indirect.gather [hbm4b:s1+s20], $0x80, s9, s20, $0xb8;
	[tilespmem:$0x1F400] =	vst v63  }
0x76: {  	_ =	swait.ge [sflag:s29], $0x2800  }
0x77: {  	[sflag:s29] =	ssyncset.done $0x0  }
0x78: {  	s9 =	sadd.s32 $0x2080, s8;
	[sflag:s29] =	ssyncadd.s32 $0xFFFFD800  }
0x79: {  	[spmem:s2] =	stream.indirect.scatter.add.f32 [tilespmem:s22], [sflag:$0x5], $0x80, s9, s20, $0xb8;
	[tilespmem:$0x1F400] =	vst v63  }
0x7a: {  	_ =	swait.ge [sflag:s30], $0x2800  }
0x7b: {  	[sflag:s30] =	ssyncset.done $0x0  }
0x7c: {  	s9 =	sadd.s32 $0x200, s8;
	[sflag:s30] =	ssyncadd.s32 $0xFFFFD800  }
0x7d: {  	[tilespmem:s22], [sflag:$0x2] =	stream.indirect.gather [hbm4b:s1+s20], $0x80, s9, s20, $0xb8;
	[tilespmem:$0x1F400] =	vst v63  }
0x7e: {  	_ =	swait.ge [sflag:s31], $0x2800  }
0x7f: {  	[sflag:s31] =	ssyncset.done $0x0  }
.Ltmp1:
0x80: {  	s9 =	sadd.s32 $0x2100, s8;
	[sflag:s31] =	ssyncadd.s32 $0xFFFFD800;
	(pc) =	sbr.rel @p0 .LBB2_4-.Ltmp1, $4  }
0x81: {  	[spmem:s2] =	stream.indirect.scatter.add.f32 [tilespmem:s25], [sflag:$0x6], $0x80, s9, s20, $0xb8;
	[tilespmem:$0x1F400] =	vst v63  }
0x82: {  	_ =	swait.ge [sflag:s0], $0x2800  }
0x83: {  	[sflag:s0] =	ssyncset.done $0x0  }
0x84: {  	s8 =	sadd.s32 $0x280, s8;
	[sflag:s0] =	ssyncadd.s32 $0xFFFFD800  }
0x85: {  	[tilespmem:s25], [sflag:$0x3] =	stream.indirect.gather [hbm4b:s1+s20], $0x80, s8, s20, $0xb8;
	[tilespmem:$0x1F400] =	vst v63  }
0x86: {  	_ =	swait.ge [sflag:s26], $0x2800  }
0x87: {  	[sflag:s26] =	ssyncset.done $0x0  }
0x88: {  	[sflag:s26] =	ssyncadd.s32 $0xFFFFD800  }
0x89: {  	[spmem:s2] =	stream.indirect.scatter.add.f32 [tilespmem:s19], [sflag:$0x4], $0x80, s3, s20, $0xb8;
	[tilespmem:$0x1F400] =	vst v63  }
0x8a: {  	_ =	swait.ge [sflag:s28], $0x2800  }
0x8b: {  	[sflag:s28] =	ssyncset.done $0x0  }
0x8c: {  	s7 =	simm.s32 $0x1F80;
	[sflag:s28] =	ssyncadd.s32 $0xFFFFD800  }
0x8d: {  	[tilespmem:s19], [sflag:$0x1] =	stream.indirect.gather [hbm4b:s1+s20], $0x80, s7, s20, $0xb8;
	[tilespmem:$0x1F400] =	vst v63  }
0x8e: {  	_ =	swait.ge [sflag:s29], $0x2800  }
0x8f: {  	[sflag:s29] =	ssyncset.done $0x0  }
0x90: {  	s8 =	simm.s32 $0x3E80;
	[sflag:s29] =	ssyncadd.s32 $0xFFFFD800  }
0x91: {  	[spmem:s2] =	stream.indirect.scatter.add.f32 [tilespmem:s22], [sflag:$0x5], $0x80, s8, s20, $0xb8;
	[tilespmem:$0x1F400] =	vst v63  }
0x92: {  	_ =	swait.ge [sflag:s30], $0x2800  }
0x93: {  	[sflag:s30] =	ssyncset.done $0x0  }
0x94: {  	[sflag:s30] =	ssyncadd.s32 $0xFFFFD800  }
0x95: {  	_ =	swait.ge [sflag:s31], $0x2800  }
0x96: {  	[sflag:s31] =	ssyncset.done $0x0  }
0x97: {  	s9 =	simm.s32 $0x3F00;
	[sflag:s31] =	ssyncadd.s32 $0xFFFFD800  }
0x98: {  	[spmem:s2] =	stream.indirect.scatter.add.f32 [tilespmem:s25], [sflag:$0x6], $0x80, s9, s20, $0xb8;
	[tilespmem:$0x1F400] =	vst v63  }
0x99: {  	_ =	swait.ge [sflag:s0], $0x2800  }
0x9a: {  	[sflag:s0] =	ssyncset.done $0x0  }
0x9b: {  	[sflag:s0] =	ssyncadd.s32 $0xFFFFD800  }
0x9c: {  	_ =	swait.ge [sflag:s26], $0x2800  }
0x9d: {  	[sflag:s26] =	ssyncset.done $0x0  }
0x9e: {  	s8 =	simm.s32 $0x3F80;
	[sflag:s26] =	ssyncadd.s32 $0xFFFFD800  }
0x9f: {  	[spmem:s2] =	stream.indirect.scatter.add.f32 [tilespmem:s19], [sflag:$0x4], $0x80, s8, s20, $0xb8;
	[tilespmem:$0x1F400] =	vst v63  }
0xa0: {  	_ =	swait.ge [sflag:s28], $0x2800  }
0xa1: {  	[sflag:s28] =	ssyncset.done $0x0  }
0xa2: {  	s7 =	simm.s32 $0x0;
	[sflag:s28] =	ssyncadd.s32 $0xFFFFD800  }
0xa3: {  	[tilespmem:s7], [sflag:$0x7] =	stream.linear.gather [hbm4b:s14+s7], $0x1E80, $0x38;
	[tilespmem:$0x1F400] =	vst v63  }
0xa4: {  	_ =	swait.ge [sflag:s16], $0x1E80  }
0xa5: {  	[sflag:s16] =	ssyncset.done $0x0  }
0xa6: {  	s9 =	sadd.s32 $0x400, s17;
	[sflag:s16] =	ssyncadd.s32 $0xFFFFE180  }
0xa7: {  	[tilespmem:s18], [sflag:$0x7] =	stream.linear.gather [hbm4b:s9+s7], $0x1E80, $0x38;
	[tilespmem:$0x1F400] =	vst v63  }
0xa8: {  	_ =	swait.ge [sflag:s16], $0x1E80  }
0xa9: {  	[sflag:s16] =	ssyncset.done $0x0  }
0xaa: {  	[sflag:s16] =	ssyncadd.s32 $0xFFFFE180  }
0xab: {  	[tilespmem:s22], [sflag:$0x2] =	stream.indirect.gather [hbm4b:s1+s20], $0x80, s7, s20, $0xb8;
	[tilespmem:$0x1F400] =	vst v63  }
0xac: {  	_ = 	snop  }
0xad: {  	[tilespmem:s25], [sflag:$0x3] =	stream.indirect.gather [hbm4b:s1+s20], $0x80, s21, s20, $0xb8;
	[tilespmem:$0x1F400] =	vst v63  }
0xae: {  	_ = 	snop  }
0xaf: {  	[tilespmem:s19], [sflag:$0x1] =	stream.indirect.gather [hbm4b:s1+s20], $0x80, s23, s20, $0xb8;
	[tilespmem:$0x1F400] =	vst v63  }
0xb0: {  	_ =	swait.ge [sflag:s29], $0x2800  }
0xb1: {  	[sflag:s29] =	ssyncset.done $0x0  }
0xb2: {  	s9 =	simm.s32 $0x2000;
	[sflag:s29] =	ssyncadd.s32 $0xFFFFD800  }
0xb3: {  	[spmem:s2] =	stream.indirect.scatter.add.f32 [tilespmem:s22], [sflag:$0x5], $0x80, s9, s20, $0xb8;
	[tilespmem:$0x1F400] =	vst v63  }
0xb4: {  	_ =	swait.ge [sflag:s30], $0x2800  }
0xb5: {  	[sflag:s30] =	ssyncset.done $0x0  }
0xb6: {  	s8 =	simm.s32 $0x180;
	[sflag:s30] =	ssyncadd.s32 $0xFFFFD800  }
0xb7: {  	[tilespmem:s22], [sflag:$0x2] =	stream.indirect.gather [hbm4b:s1+s20], $0x80, s8, s20, $0xb8;
	[tilespmem:$0x1F400] =	vst v63  }
0xb8: {  	_ =	swait.ge [sflag:s31], $0x2800  }
0xb9: {  	[sflag:s31] =	ssyncset.done $0x0  }
0xba: {  	s9 =	simm.s32 $0x2080;
	[sflag:s31] =	ssyncadd.s32 $0xFFFFD800  }
0xbb: {  	[spmem:s2] =	stream.indirect.scatter.add.f32 [tilespmem:s25], [sflag:$0x6], $0x80, s9, s20, $0xb8;
	[tilespmem:$0x1F400] =	vst v63  }
0xbc: {  	_ =	swait.ge [sflag:s0], $0x2800  }
0xbd: {  	[sflag:s0] =	ssyncset.done $0x0  }
0xbe: {  	s8 =	simm.s32 $0x200;
	[sflag:s0] =	ssyncadd.s32 $0xFFFFD800  }
0xbf: {  	[tilespmem:s25], [sflag:$0x3] =	stream.indirect.gather [hbm4b:s1+s20], $0x80, s8, s20, $0xb8;
	[tilespmem:$0x1F400] =	vst v63  }
0xc0: {  	_ =	swait.ge [sflag:s26], $0x2800  }
0xc1: {  	[sflag:s26] =	ssyncset.done $0x0  }
0xc2: {  	s9 =	simm.s32 $0x2100;
	[sflag:s26] =	ssyncadd.s32 $0xFFFFD800  }
0xc3: {  	[spmem:s2] =	stream.indirect.scatter.add.f32 [tilespmem:s19], [sflag:$0x4], $0x80, s9, s20, $0xb8;
	[tilespmem:$0x1F400] =	vst v63  }
0xc4: {  	_ =	swait.ge [sflag:s28], $0x2800  }
0xc5: {  	[sflag:s28] =	ssyncset.done $0x0  }
0xc6: {  	s7 =	simm.s32 $0x600;
	s8 =	simm.s32 $0x280;
	[sflag:s28] =	ssyncadd.s32 $0xFFFFD800  }
.LBB2_6:
0xc7: {  	[tilespmem:s19], [sflag:$0x1] =	stream.indirect.gather [hbm4b:s1+s20], $0x80, s8, s20, $0xb8;
	[tilespmem:$0x1F400] =	vst v63  }
0xc8: {  	s8 =	smov.u32 s7  }
0xc9: {  	p0 =	sne.s32 s7, $0x6C00;
	s7 =	sadd.s32 $0x600, s7;
	_ =	swait.ge [sflag:s29], $0x2800  }
0xca: {  	s8 =	sshra.s32 s8, $0x2;
	[sflag:s29] =	ssyncset.done $0x0  }
0xcb: {  	s9 =	sadd.s32 $0x2000, s8;
	[sflag:s29] =	ssyncadd.s32 $0xFFFFD800  }
0xcc: {  	[spmem:s2] =	stream.indirect.scatter.add.f32 [tilespmem:s22], [sflag:$0x5], $0x80, s9, s20, $0xb8;
	[tilespmem:$0x1F400] =	vst v63  }
0xcd: {  	_ =	swait.ge [sflag:s30], $0x2800  }
0xce: {  	[sflag:s30] =	ssyncset.done $0x0  }
0xcf: {  	s9 =	sadd.s32 $0x180, s8;
	[sflag:s30] =	ssyncadd.s32 $0xFFFFD800  }
0xd0: {  	[tilespmem:s22], [sflag:$0x2] =	stream.indirect.gather [hbm4b:s1+s20], $0x80, s9, s20, $0xb8;
	[tilespmem:$0x1F400] =	vst v63  }
0xd1: {  	_ =	swait.ge [sflag:s31], $0x2800  }
0xd2: {  	[sflag:s31] =	ssyncset.done $0x0  }
0xd3: {  	s9 =	sadd.s32 $0x2080, s8;
	[sflag:s31] =	ssyncadd.s32 $0xFFFFD800  }
0xd4: {  	[spmem:s2] =	stream.indirect.scatter.add.f32 [tilespmem:s25], [sflag:$0x6], $0x80, s9, s20, $0xb8;
	[tilespmem:$0x1F400] =	vst v63  }
0xd5: {  	_ =	swait.ge [sflag:s0], $0x2800  }
0xd6: {  	[sflag:s0] =	ssyncset.done $0x0  }
0xd7: {  	s9 =	sadd.s32 $0x200, s8;
	[sflag:s0] =	ssyncadd.s32 $0xFFFFD800  }
0xd8: {  	[tilespmem:s25], [sflag:$0x3] =	stream.indirect.gather [hbm4b:s1+s20], $0x80, s9, s20, $0xb8;
	[tilespmem:$0x1F400] =	vst v63  }
0xd9: {  	_ =	swait.ge [sflag:s26], $0x2800  }
0xda: {  	[sflag:s26] =	ssyncset.done $0x0  }
.Ltmp2:
0xdb: {  	s9 =	sadd.s32 $0x2100, s8;
	[sflag:s26] =	ssyncadd.s32 $0xFFFFD800;
	(pc) =	sbr.rel @p0 .LBB2_6-.Ltmp2, $4  }
0xdc: {  	[spmem:s2] =	stream.indirect.scatter.add.f32 [tilespmem:s19], [sflag:$0x4], $0x80, s9, s20, $0xb8;
	[tilespmem:$0x1F400] =	vst v63  }
0xdd: {  	_ =	swait.ge [sflag:s28], $0x2800  }
0xde: {  	[sflag:s28] =	ssyncset.done $0x0  }
0xdf: {  	s8 =	sadd.s32 $0x280, s8;
	[sflag:s28] =	ssyncadd.s32 $0xFFFFD800  }
0xe0: {  	[tilespmem:s19], [sflag:$0x1] =	stream.indirect.gather [hbm4b:s1+s20], $0x80, s8, s20, $0xb8;
	[tilespmem:$0x1F400] =	vst v63  }
0xe1: {  	_ =	swait.ge [sflag:s29], $0x2800  }
0xe2: {  	[sflag:s29] =	ssyncset.done $0x0  }
0xe3: {  	s7 =	simm.s32 $0x3C80;
	[sflag:s29] =	ssyncadd.s32 $0xFFFFD800  }
0xe4: {  	[spmem:s2] =	stream.indirect.scatter.add.f32 [tilespmem:s22], [sflag:$0x5], $0x80, s7, s20, $0xb8;
	[tilespmem:$0x1F400] =	vst v63  }
0xe5: {  	_ =	swait.ge [sflag:s30], $0x2800  }
0xe6: {  	[sflag:s30] =	ssyncset.done $0x0  }
0xe7: {  	s9 =	simm.s32 $0x1E00;
	[sflag:s30] =	ssyncadd.s32 $0xFFFFD800  }
0xe8: {  	[tilespmem:s22], [sflag:$0x2] =	stream.indirect.gather [hbm4b:s1+s20], $0x80, s9, s20, $0xb8;
	[tilespmem:$0x1F400] =	vst v63  }
0xe9: {  	_ =	swait.ge [sflag:s31], $0x2800  }
0xea: {  	[sflag:s31] =	ssyncset.done $0x0  }
0xeb: {  	s8 =	simm.s32 $0x3D00;
	[sflag:s31] =	ssyncadd.s32 $0xFFFFD800  }
0xec: {  	[spmem:s2] =	stream.indirect.scatter.add.f32 [tilespmem:s25], [sflag:$0x6], $0x80, s8, s20, $0xb8;
	[tilespmem:$0x1F400] =	vst v63  }
0xed: {  	_ =	swait.ge [sflag:s0], $0x2800  }
0xee: {  	[sflag:s0] =	ssyncset.done $0x0  }
0xef: {  	[sflag:s0] =	ssyncadd.s32 $0xFFFFD800  }
0xf0: {  	_ =	swait.ge [sflag:s26], $0x2800  }
0xf1: {  	[sflag:s26] =	ssyncset.done $0x0  }
0xf2: {  	s9 =	simm.s32 $0x3D80;
	[sflag:s26] =	ssyncadd.s32 $0xFFFFD800  }
0xf3: {  	[spmem:s2] =	stream.indirect.scatter.add.f32 [tilespmem:s19], [sflag:$0x4], $0x80, s9, s20, $0xb8;
	[tilespmem:$0x1F400] =	vst v63  }
0xf4: {  	_ =	swait.ge [sflag:s28], $0x2800  }
0xf5: {  	[sflag:s28] =	ssyncset.done $0x0  }
0xf6: {  	[sflag:s28] =	ssyncadd.s32 $0xFFFFD800  }
0xf7: {  	_ =	swait.ge [sflag:s29], $0x2800  }
0xf8: {  	[sflag:s29] =	ssyncset.done $0x0  }
0xf9: {  	[sflag:s29] =	ssyncadd.s32 $0xFFFFD800  }
0xfa: {  	[spmem:s2] =	stream.indirect.scatter.add.f32 [tilespmem:s22], [sflag:$0x5], $0x80, s3, s20, $0xb8;
	[tilespmem:$0x1F400] =	vst v63  }
0xfb: {  	s8 =	stileid.u32;
	_ =	swait.ge [sflag:s30], $0x2800  }
0xfc: {  	s4 =	sadd.s32 $0x1, s4;
	s7 =	sshll.u32 s8, $0x6;
	[sflag:s30] =	ssyncset.done $0x0  }
0xfd: {  	p0 =	sne.s32 s4, s15;
	s7 =	sor.u32 $0x1C07, s7;
	[sflag:s30] =	ssyncadd.s32 $0xFFFFD800  }
.Ltmp3:
0xfe: {  	s9 =	sshrl.u32 s5, $0x3;
	[bflag:$0x0] =	sbarrier.arrive $0xFFFF;
	(pc) =	sbr.rel @p0 .LBB2_1-.Ltmp3, $4  }
0xff: {  	[hbm:s24], [sflag:s7] =	dma.local [spmem:s9], $0x2780  }
0x100: {  	_ =	swait.ge [sflag:s16], $0x2780  }
0x101: {  	[sflag:s16] =	ssyncset.done $0x0  }
0x102: {  	[sflag:s16] =	ssyncadd.s32 $0xFFFFD880  }
0x103: {  	_ =	sfence.sel $0x180000  }
0x104: {  	[bflag:$0x0] =	sbarrier.arrive $0xFFFF  }
0x105: {  	_ =	strace $0x90000047  }
0x106: {  	s0 =	stileid.u32;
	[bflag:$0x2] =	sbarrier.arrive $0xFFFF  }
0x107: {  	p0 =	sne.s32 s0, $0x0;
	s0 =	rddreg [dreg:$0x4]  }
0x108: {  	s0 =	sadd.s32 @!p0 $0x100000, s0  }
0x109: {  	[sflag:s0] =	ssyncadd.tile.s32 @!p0 $0x1;
	_ =	shalt  }
.Lfunc_end2:
_tile_overlayer_lowered:
.L_overlay_start_2:
0x10a: {  	(tag) =	ssettag $0x2  }
0x10b: {  	s0 =	rddreg [dreg:$0x0];
	s2 =	stileid.u32  }
0x10c: {  	s1 =	rddreg [dreg:$0x1];
	p0 =	sne.s32 s2, $0x0  }
0x10d: {  	s3 =	rddreg [dreg:$0x2];
	[bflag:$0x3] =	sbarrier.arrive $0xFFFF;
	s2 =	simm.s32 @!p0 $0x1C07  }
0x10e: {  	[timem:s3], [sflag:s2] =	dma.local @!p0 [hbm:s0], s1  }
0x10f: {  	s0 =	simm.s32 @!p0 $0x7  }
0x110: {  	_ =	swait.ge @!p0 [sflag:s0], s1  }
0x111: {  	s1 =	ssub.s32 @!p0 $0x0, s1;
	[sflag:s0] =	ssyncset.done @!p0 $0x0  }
0x112: {  	[sflag:s0] =	ssyncadd.s32 @!p0 s1  }
0x113: {  	[bflag:$0x3] =	sbarrier.arrive $0xFFFF  }
0x114: {  	_ =	shalt  }

</sc_bundles>
